<compile_context>
chip_gen: v7x
topology: tpu7x:2x2x1
jax: 0.10.2.dev20260603
libtpu: 0.0.44.dev20260713+nightly
codegen_flags: <defaults>
</compile_context>

<pallas_src>
import numpy as np

import jax
import jax.numpy as jnp
from jax.experimental import pallas as pl
from jax.experimental.pallas import tpu as pltpu

_B, _N, _D, _E, _L, _H = 16, 512, 128, 128, 3, 4
_DH = _E // _H
_MASK_RATIO = 0.15


def _body(x_ref, A_ref, Ap_ref, m_ref, mt_ref, Win_ref, bin_ref,
          Wq_ref, Wk_ref, Wv_ref, Wo_ref, W1_ref, b1_ref, W2_ref, b2_ref,
          pred_ref, num_ref):
    x = x_ref[0]
    m = m_ref[0]
    xf = x * (1.0 - m) + m * mt_ref[...]
    h = jnp.dot(xf, Win_ref[...], preferred_element_type=jnp.float32) + bin_ref[...]
    bias = A_ref[0] + Ap_ref[0]
    bias = bias - jnp.max(bias, axis=-1, keepdims=True)
    scale = 1.0 / np.sqrt(_DH)
    for l in range(_L):
        q = jnp.dot(h, Wq_ref[l], preferred_element_type=jnp.float32) * scale
        k = jnp.dot(h, Wk_ref[l], preferred_element_type=jnp.float32)
        v = jnp.dot(h, Wv_ref[l], preferred_element_type=jnp.float32)
        ones_col = jnp.ones((v.shape[0], 1), jnp.float32)
        o_heads = []
        for hh in range(_H):
            sl = slice(hh * _DH, (hh + 1) * _DH)
            qh, kh = q[:, sl], k[:, sl]
            vh1 = jnp.concatenate([v[:, sl], ones_col], axis=1)
            logits = jax.lax.dot_general(
                qh, kh, (((1,), (1,)), ((), ())),
                preferred_element_type=jnp.float32) + bias
            e = jnp.exp(logits)
            t = jnp.dot(e, vh1, preferred_element_type=jnp.float32)
            o_heads.append(t[:, :_DH] * (1.0 / t[:, _DH:_DH + 1]))
        o = jnp.concatenate(o_heads, axis=1)
        h = jnp.maximum(h + jnp.dot(o, Wo_ref[l], preferred_element_type=jnp.float32), 0.0)
    hid = jnp.maximum(jnp.dot(h, W1_ref[...], preferred_element_type=jnp.float32)
                      + b1_ref[...], 0.0)
    pred = jnp.dot(hid, W2_ref[...], preferred_element_type=jnp.float32) + b2_ref[...]
    pred_ref[0] = pred
    lp = jnp.mean((pred - x) ** 2, axis=-1, keepdims=True)
    num_ref[0] = jnp.sum(lp * m, axis=0, keepdims=True)


def kernel(x, A, A_phi, mask_token, W_in, b_in, Wq, Wk, Wv, Wo, W1, b1, W2, b2):
    B, N, D = x.shape
    E = W_in.shape[1]
    len_keep = int(N * (1.0 - _MASK_RATIO))
    noise = jax.random.uniform(jax.random.key(42), (B, N), dtype=jnp.float32)
    ids_shuffle = jnp.argsort(noise, axis=1)
    ids_restore = jnp.argsort(ids_shuffle, axis=1)
    mask = jnp.ones((B, N), dtype=jnp.float32).at[:, :len_keep].set(0.0)
    mask = jnp.take_along_axis(mask, ids_restore, axis=1)

    m3 = mask.reshape(B, N, 1)
    mt2 = mask_token.reshape(1, D)
    bin2 = b_in.reshape(1, E)
    b12 = b1.reshape(1, -1)
    b22 = b2.reshape(1, D)

    grid = (B,)
    pred, num = pl.pallas_call(
        _body,
        grid=grid,
        in_specs=[
            pl.BlockSpec((1, N, D), lambda b: (b, 0, 0)),
            pl.BlockSpec((1, N, N), lambda b: (b, 0, 0)),
            pl.BlockSpec((1, N, N), lambda b: (b, 0, 0)),
            pl.BlockSpec((1, N, 1), lambda b: (b, 0, 0)),
            pl.BlockSpec((1, D), lambda b: (0, 0)),
            pl.BlockSpec((D, E), lambda b: (0, 0)),
            pl.BlockSpec((1, E), lambda b: (0, 0)),
            pl.BlockSpec((_L, E, E), lambda b: (0, 0, 0)),
            pl.BlockSpec((_L, E, E), lambda b: (0, 0, 0)),
            pl.BlockSpec((_L, E, E), lambda b: (0, 0, 0)),
            pl.BlockSpec((_L, E, E), lambda b: (0, 0, 0)),
            pl.BlockSpec((E, 2 * E), lambda b: (0, 0)),
            pl.BlockSpec((1, 2 * E), lambda b: (0, 0)),
            pl.BlockSpec((2 * E, D), lambda b: (0, 0)),
            pl.BlockSpec((1, D), lambda b: (0, 0)),
        ],
        out_specs=[
            pl.BlockSpec((1, N, D), lambda b: (b, 0, 0)),
            pl.BlockSpec((1, 1, 1), lambda b: (b, 0, 0)),
        ],
        out_shape=[
            jax.ShapeDtypeStruct((B, N, D), jnp.float32),
            jax.ShapeDtypeStruct((B, 1, 1), jnp.float32),
        ],
        compiler_params=pltpu.CompilerParams(
            dimension_semantics=("arbitrary",)),
    )(x, A, A_phi, m3, mt2, W_in, bin2, Wq, Wk, Wv, Wo, W1, b12, W2, b22)

    loss = jnp.sum(num) / jnp.sum(mask)
    return pred, loss, mask

# --- scband reference (transcript-rebuilt; emitter-appended) ---
"""Pipeline reference for scband-graph-mae-59579786330162 (READ-ONLY COPY).

The authoritative reference and input builder live on the scoring server;
editing this copy changes nothing except your own understanding.
"""

import jax, jax.numpy as jnp
import numpy as np

B, N, D, E, L, H = 16, 512, 128, 128, 3, 4
MASK_RATIO = 0.15


def setup_inputs(seed: int = 0) -> dict:
    key = jax.random.key(seed)
    ks = jax.random.split(key, 12)
    x = jax.random.normal(ks[0], (B, N, D), dtype=jnp.float32)
    A = jax.random.uniform(ks[1], (B, N, N), dtype=jnp.float32)
    A_phi = jax.random.uniform(ks[2], (B, N, N), dtype=jnp.float32)
    mask_token = jnp.zeros((1, 1, D), dtype=jnp.float32)
    W_in = jax.random.normal(ks[3], (D, E), dtype=jnp.float32) * 0.02
    b_in = jnp.zeros((E,), dtype=jnp.float32)
    Wq = jax.random.normal(ks[4], (L, E, E), dtype=jnp.float32) * 0.02
    Wk = jax.random.normal(ks[5], (L, E, E), dtype=jnp.float32) * 0.02
    Wv = jax.random.normal(ks[6], (L, E, E), dtype=jnp.float32) * 0.02
    Wo = jax.random.normal(ks[7], (L, E, E), dtype=jnp.float32) * 0.02
    W1 = jax.random.normal(ks[8], (E, 2 * E), dtype=jnp.float32) * 0.02
    b1 = jnp.zeros((2 * E,), dtype=jnp.float32)
    W2 = jax.random.normal(ks[9], (2 * E, D), dtype=jnp.float32) * 0.02
    b2 = jnp.zeros((D,), dtype=jnp.float32)
    return {"x": x, "A": A, "A_phi": A_phi, "mask_token": mask_token,
            "W_in": W_in, "b_in": b_in, "Wq": Wq, "Wk": Wk, "Wv": Wv, "Wo": Wo,
            "W1": W1, "b1": b1, "W2": W2, "b2": b2}


def reference(x, A, A_phi, mask_token, W_in, b_in, Wq, Wk, Wv, Wo, W1, b1, W2, b2):
    Bs, Ns, Ds = x.shape
    len_keep = int(Ns * (1.0 - MASK_RATIO))
    # random_mask (deterministic noise key, faithful to torch.rand + argsort logic)
    noise = jax.random.uniform(jax.random.key(42), (Bs, Ns), dtype=jnp.float32)
    ids_shuffle = jnp.argsort(noise, axis=1)
    ids_restore = jnp.argsort(ids_shuffle, axis=1)
    ids_mask = ids_shuffle[:, len_keep:]
    mask = jnp.ones((Bs, Ns), dtype=jnp.float32).at[:, :len_keep].set(0.0)
    mask = jnp.take_along_axis(mask, ids_restore, axis=1)
    # scatter mask tokens into x (x_full.scatter_)
    mt = jnp.broadcast_to(mask_token, (Bs, Ns - len_keep, Ds))
    x_full = jax.vmap(lambda xb, ib, vb: xb.at[ib].set(vb))(x, ids_mask, mt)
    # GSAEncoder: graph self-attention with additive structural bias (A + A_phi)
    h = x_full @ W_in + b_in
    dh = E // H
    bias = (A + A_phi)[:, None, :, :]
    for l in range(L):
        q = (h @ Wq[l]).reshape(Bs, Ns, H, dh).transpose(0, 2, 1, 3)
        k = (h @ Wk[l]).reshape(Bs, Ns, H, dh).transpose(0, 2, 1, 3)
        v = (h @ Wv[l]).reshape(Bs, Ns, H, dh).transpose(0, 2, 1, 3)
        logits = jnp.einsum('bhnd,bhmd->bhnm', q, k) / np.sqrt(dh) + bias
        attn = jax.nn.softmax(logits, axis=-1)
        o = jnp.einsum('bhnm,bhmd->bhnd', attn, v)
        o = o.transpose(0, 2, 1, 3).reshape(Bs, Ns, E) @ Wo[l]
        h = jax.nn.relu(h + o)
    # decoder MLP
    pred = jax.nn.relu(h @ W1 + b1) @ W2 + b2
    loss_per = jnp.mean((pred - x) ** 2, axis=-1)
    loss = jnp.sum(loss_per * mask) / jnp.sum(mask)
    return pred, loss, mask

if __name__ == "__main__":
    import jax
    _d = setup_inputs()
    print(jax.jit(kernel)(*tuple(_d.values())))

</pallas_src>

<mosaic_0001>
module attributes {stable_mosaic.version = 14 : i64} {
  func.func @_body(%arg0: i32, %arg1: memref<1x512x128xf32, #tpu.memory_space<vmem>>, %arg2: memref<1x512x512xf32, #tpu.memory_space<vmem>>, %arg3: memref<1x512x512xf32, #tpu.memory_space<vmem>>, %arg4: memref<1x512x1xf32, #tpu.memory_space<vmem>>, %arg5: memref<1x128xf32, #tpu.memory_space<vmem>>, %arg6: memref<128x128xf32, #tpu.memory_space<vmem>>, %arg7: memref<1x128xf32, #tpu.memory_space<vmem>>, %arg8: memref<3x128x128xf32, #tpu.memory_space<vmem>>, %arg9: memref<3x128x128xf32, #tpu.memory_space<vmem>>, %arg10: memref<3x128x128xf32, #tpu.memory_space<vmem>>, %arg11: memref<3x128x128xf32, #tpu.memory_space<vmem>>, %arg12: memref<128x256xf32, #tpu.memory_space<vmem>>, %arg13: memref<1x256xf32, #tpu.memory_space<vmem>>, %arg14: memref<256x128xf32, #tpu.memory_space<vmem>>, %arg15: memref<1x128xf32, #tpu.memory_space<vmem>>, %arg16: memref<1x512x128xf32, #tpu.memory_space<vmem>>, %arg17: memref<1x1x1xf32, #tpu.memory_space<vmem>>) attributes {dimension_semantics = [#tpu.dimension_semantics<arbitrary>], iteration_bounds = array<i64: 16>, scalar_prefetch = 0 : i64, scratch_operands = 0 : i64, tpu.core_type = #tpu.core_type<tc>, window_params = [{transform_indices = @transform_0, window_bounds = array<i64: 1, 512, 128>}, {transform_indices = @transform_1, window_bounds = array<i64: 1, 512, 512>}, {transform_indices = @transform_2, window_bounds = array<i64: 1, 512, 512>}, {transform_indices = @transform_3, window_bounds = array<i64: 1, 512, 1>}, {pipeline_mode = #tpu.pipeline_mode<synchronous>, transform_indices = @transform_4, window_bounds = array<i64: 1, 128>}, {pipeline_mode = #tpu.pipeline_mode<synchronous>, transform_indices = @transform_5, window_bounds = array<i64: 128, 128>}, {pipeline_mode = #tpu.pipeline_mode<synchronous>, transform_indices = @transform_6, window_bounds = array<i64: 1, 128>}, {pipeline_mode = #tpu.pipeline_mode<synchronous>, transform_indices = @transform_7, window_bounds = array<i64: 3, 128, 128>}, {pipeline_mode = #tpu.pipeline_mode<synchronous>, transform_indices = @transform_8, window_bounds = array<i64: 3, 128, 128>}, {pipeline_mode = #tpu.pipeline_mode<synchronous>, transform_indices = @transform_9, window_bounds = array<i64: 3, 128, 128>}, {pipeline_mode = #tpu.pipeline_mode<synchronous>, transform_indices = @transform_10, window_bounds = array<i64: 3, 128, 128>}, {pipeline_mode = #tpu.pipeline_mode<synchronous>, transform_indices = @transform_11, window_bounds = array<i64: 128, 256>}, {pipeline_mode = #tpu.pipeline_mode<synchronous>, transform_indices = @transform_12, window_bounds = array<i64: 1, 256>}, {pipeline_mode = #tpu.pipeline_mode<synchronous>, transform_indices = @transform_13, window_bounds = array<i64: 256, 128>}, {pipeline_mode = #tpu.pipeline_mode<synchronous>, transform_indices = @transform_14, window_bounds = array<i64: 1, 128>}, {transform_indices = @transform_15, window_bounds = array<i64: 1, 512, 128>}, {transform_indices = @transform_16, window_bounds = array<i64: 1, 1, 1>}]} {
    %get3A = arith.constant 0 : index
    %get3A_0 = arith.constant 0 : index
    %get3A_1 = arith.constant 0 : index
    %get3A_2 = vector.load %arg1[%get3A, %get3A_0, %get3A_1] : memref<1x512x128xf32, #tpu.memory_space<vmem>>, vector<1x512x128xf32>
    %get3A_3 = vector.shape_cast %get3A_2 : vector<1x512x128xf32> to vector<512x128xf32>
    %get3A_4 = arith.constant 0 : index
    %get3A_5 = arith.constant 0 : index
    %get3A_6 = arith.constant 0 : index
    %get3A_7 = vector.load %arg4[%get3A_4, %get3A_5, %get3A_6] : memref<1x512x1xf32, #tpu.memory_space<vmem>>, vector<1x512x1xf32>
    %get3A_8 = vector.shape_cast %get3A_7 : vector<1x512x1xf32> to vector<512x1xf32>
    %sub3A = arith.constant 1.000000e+00 : f32
    %sub3A_9 = vector.broadcast %sub3A : f32 to vector<512x1xf32>
    %sub3A_10 = arith.subf %sub3A_9, %get3A_8 : vector<512x1xf32>
    %mul3A = vector.broadcast %sub3A_10 : vector<512x1xf32> to vector<512x128xf32>
    %mul3A_11 = arith.mulf %get3A_3, %mul3A : vector<512x128xf32>
    %get3A_12 = arith.constant 0 : index
    %get3A_13 = arith.constant 0 : index
    %get3A_14 = vector.load %arg5[%get3A_12, %get3A_13] : memref<1x128xf32, #tpu.memory_space<vmem>>, vector<1x128xf32>
    %mul3A_15 = vector.broadcast %get3A_8 : vector<512x1xf32> to vector<512x128xf32>
    %mul3A_16 = vector.broadcast %get3A_14 : vector<1x128xf32> to vector<512x128xf32>
    %mul3A_17 = arith.mulf %mul3A_15, %mul3A_16 : vector<512x128xf32>
    %add3A = arith.addf %mul3A_11, %mul3A_17 : vector<512x128xf32>
    %get3A_18 = arith.constant 0 : index
    %get3A_19 = arith.constant 0 : index
    %get3A_20 = vector.load %arg6[%get3A_18, %get3A_19] : memref<128x128xf32, #tpu.memory_space<vmem>>, vector<128x128xf32>
    %dot_general3A = arith.constant dense<0.000000e+00> : vector<512x128xf32>
    %dot_general3A_21 = tpu.matmul %add3A, %get3A_20, %dot_general3A {dimension_numbers = #tpu.dot_dimension_numbers<[1], [0], [0], [1], [0, 0, 1, 1], [], []>, transpose_lhs_hint = false} : vector<512x128xf32>, vector<128x128xf32>, vector<512x128xf32> -> vector<512x128xf32>
    %get3A_22 = arith.constant 0 : index
    %get3A_23 = arith.constant 0 : index
    %get3A_24 = vector.load %arg7[%get3A_22, %get3A_23] : memref<1x128xf32, #tpu.memory_space<vmem>>, vector<1x128xf32>
    %add3A_25 = vector.broadcast %get3A_24 : vector<1x128xf32> to vector<512x128xf32>
    %add3A_26 = arith.addf %dot_general3A_21, %add3A_25 : vector<512x128xf32>
    %get3A_27 = arith.constant 0 : index
    %get3A_28 = arith.constant 0 : index
    %get3A_29 = arith.constant 0 : index
    %get3A_30 = vector.load %arg2[%get3A_27, %get3A_28, %get3A_29] : memref<1x512x512xf32, #tpu.memory_space<vmem>>, vector<1x512x512xf32>
    %get3A_31 = vector.shape_cast %get3A_30 : vector<1x512x512xf32> to vector<512x512xf32>
    %get3A_32 = arith.constant 0 : index
    %get3A_33 = arith.constant 0 : index
    %get3A_34 = arith.constant 0 : index
    %get3A_35 = vector.load %arg3[%get3A_32, %get3A_33, %get3A_34] : memref<1x512x512xf32, #tpu.memory_space<vmem>>, vector<1x512x512xf32>
    %get3A_36 = vector.shape_cast %get3A_35 : vector<1x512x512xf32> to vector<512x512xf32>
    %add3A_37 = arith.addf %get3A_31, %get3A_36 : vector<512x512xf32>
    %reduce_max3A = arith.constant dense<0xFF800000> : vector<512xf32>
    %reduce_max3A_38 = vector.multi_reduction <maximumf>, %add3A_37, %reduce_max3A [1] : vector<512x512xf32> to vector<512xf32>
    %broadcast_in_dim3A = vector.shape_cast %reduce_max3A_38 : vector<512xf32> to vector<512x1xf32>
    %sub3A_39 = vector.broadcast %broadcast_in_dim3A : vector<512x1xf32> to vector<512x512xf32>
    %sub3A_40 = arith.subf %add3A_37, %sub3A_39 : vector<512x512xf32>
    %get3A_41 = arith.constant 0 : index
    %get3A_42 = arith.constant 0 : index
    %get3A_43 = arith.constant 0 : index
    %get3A_44 = vector.load %arg8[%get3A_41, %get3A_42, %get3A_43] : memref<3x128x128xf32, #tpu.memory_space<vmem>>, vector<1x128x128xf32>
    %get3A_45 = vector.shape_cast %get3A_44 : vector<1x128x128xf32> to vector<128x128xf32>
    %dot_general3A_46 = arith.constant dense<0.000000e+00> : vector<512x128xf32>
    %dot_general3A_47 = tpu.matmul %add3A_26, %get3A_45, %dot_general3A_46 {dimension_numbers = #tpu.dot_dimension_numbers<[1], [0], [0], [1], [0, 0, 1, 1], [], []>, transpose_lhs_hint = false} : vector<512x128xf32>, vector<128x128xf32>, vector<512x128xf32> -> vector<512x128xf32>
    %mul3A_48 = arith.constant 0.176776692 : f32
    %mul3A_49 = vector.broadcast %mul3A_48 : f32 to vector<512x128xf32>
    %mul3A_50 = arith.mulf %dot_general3A_47, %mul3A_49 : vector<512x128xf32>
    %get3A_51 = arith.constant 0 : index
    %get3A_52 = arith.constant 0 : index
    %get3A_53 = arith.constant 0 : index
    %get3A_54 = vector.load %arg9[%get3A_51, %get3A_52, %get3A_53] : memref<3x128x128xf32, #tpu.memory_space<vmem>>, vector<1x128x128xf32>
    %get3A_55 = vector.shape_cast %get3A_54 : vector<1x128x128xf32> to vector<128x128xf32>
    %dot_general3A_56 = arith.constant dense<0.000000e+00> : vector<512x128xf32>
    %dot_general3A_57 = tpu.matmul %add3A_26, %get3A_55, %dot_general3A_56 {dimension_numbers = #tpu.dot_dimension_numbers<[1], [0], [0], [1], [0, 0, 1, 1], [], []>, transpose_lhs_hint = false} : vector<512x128xf32>, vector<128x128xf32>, vector<512x128xf32> -> vector<512x128xf32>
    %get3A_58 = arith.constant 0 : index
    %get3A_59 = arith.constant 0 : index
    %get3A_60 = arith.constant 0 : index
    %get3A_61 = vector.load %arg10[%get3A_58, %get3A_59, %get3A_60] : memref<3x128x128xf32, #tpu.memory_space<vmem>>, vector<1x128x128xf32>
    %get3A_62 = vector.shape_cast %get3A_61 : vector<1x128x128xf32> to vector<128x128xf32>
    %dot_general3A_63 = arith.constant dense<0.000000e+00> : vector<512x128xf32>
    %dot_general3A_64 = tpu.matmul %add3A_26, %get3A_62, %dot_general3A_63 {dimension_numbers = #tpu.dot_dimension_numbers<[1], [0], [0], [1], [0, 0, 1, 1], [], []>, transpose_lhs_hint = false} : vector<512x128xf32>, vector<128x128xf32>, vector<512x128xf32> -> vector<512x128xf32>
    %broadcast_in_dim3A_65 = arith.constant 1.000000e+00 : f32
    %broadcast_in_dim3A_66 = vector.broadcast %broadcast_in_dim3A_65 : f32 to vector<512x1xf32>
    %slice3A = vector.extract_strided_slice %mul3A_50 {offsets = [0, 0], sizes = [512, 32], strides = [1, 1]} : vector<512x128xf32> to vector<512x32xf32>
    %slice3A_67 = vector.extract_strided_slice %dot_general3A_57 {offsets = [0, 0], sizes = [512, 32], strides = [1, 1]} : vector<512x128xf32> to vector<512x32xf32>
    %slice3A_68 = vector.extract_strided_slice %dot_general3A_64 {offsets = [0, 0], sizes = [512, 32], strides = [1, 1]} : vector<512x128xf32> to vector<512x32xf32>
    %concatenate3A = tpu.concatenate %slice3A_68, %broadcast_in_dim3A_66 in 1 : vector<512x32xf32>, vector<512x1xf32> -> vector<512x33xf32>
    %dot_general3A_69 = arith.constant dense<0.000000e+00> : vector<512x512xf32>
    %dot_general3A_70 = tpu.matmul %slice3A, %slice3A_67, %dot_general3A_69 {dimension_numbers = #tpu.dot_dimension_numbers<[1], [1], [0], [0], [0, 0, 1, 0], [], []>, transpose_lhs_hint = false} : vector<512x32xf32>, vector<512x32xf32>, vector<512x512xf32> -> vector<512x512xf32>
    %add3A_71 = arith.addf %dot_general3A_70, %sub3A_40 : vector<512x512xf32>
    %exp3A = math.exp %add3A_71 : vector<512x512xf32>
    %dot_general3A_72 = arith.constant dense<0.000000e+00> : vector<512x33xf32>
    %dot_general3A_73 = tpu.matmul %exp3A, %concatenate3A, %dot_general3A_72 {dimension_numbers = #tpu.dot_dimension_numbers<[1], [0], [0], [1], [0, 0, 1, 1], [], []>, transpose_lhs_hint = false} : vector<512x512xf32>, vector<512x33xf32>, vector<512x33xf32> -> vector<512x33xf32>
    %slice3A_74 = vector.extract_strided_slice %dot_general3A_73 {offsets = [0, 0], sizes = [512, 32], strides = [1, 1]} : vector<512x33xf32> to vector<512x32xf32>
    %slice3A_75 = vector.extract_strided_slice %dot_general3A_73 {offsets = [0, 32], sizes = [512, 1], strides = [1, 1]} : vector<512x33xf32> to vector<512x1xf32>
    %div3A = arith.constant 1.000000e+00 : f32
    %div3A_76 = vector.broadcast %div3A : f32 to vector<512x1xf32>
    %div3A_77 = arith.divf %div3A_76, %slice3A_75 : vector<512x1xf32>
    %mul3A_78 = vector.broadcast %div3A_77 : vector<512x1xf32> to vector<512x32xf32>
    %mul3A_79 = arith.mulf %slice3A_74, %mul3A_78 : vector<512x32xf32>
    %slice3A_80 = vector.extract_strided_slice %mul3A_50 {offsets = [0, 32], sizes = [512, 32], strides = [1, 1]} : vector<512x128xf32> to vector<512x32xf32>
    %slice3A_81 = vector.extract_strided_slice %dot_general3A_57 {offsets = [0, 32], sizes = [512, 32], strides = [1, 1]} : vector<512x128xf32> to vector<512x32xf32>
    %slice3A_82 = vector.extract_strided_slice %dot_general3A_64 {offsets = [0, 32], sizes = [512, 32], strides = [1, 1]} : vector<512x128xf32> to vector<512x32xf32>
    %concatenate3A_83 = tpu.concatenate %slice3A_82, %broadcast_in_dim3A_66 in 1 : vector<512x32xf32>, vector<512x1xf32> -> vector<512x33xf32>
    %dot_general3A_84 = arith.constant dense<0.000000e+00> : vector<512x512xf32>
    %dot_general3A_85 = tpu.matmul %slice3A_80, %slice3A_81, %dot_general3A_84 {dimension_numbers = #tpu.dot_dimension_numbers<[1], [1], [0], [0], [0, 0, 1, 0], [], []>, transpose_lhs_hint = false} : vector<512x32xf32>, vector<512x32xf32>, vector<512x512xf32> -> vector<512x512xf32>
    %add3A_86 = arith.addf %dot_general3A_85, %sub3A_40 : vector<512x512xf32>
    %exp3A_87 = math.exp %add3A_86 : vector<512x512xf32>
    %dot_general3A_88 = arith.constant dense<0.000000e+00> : vector<512x33xf32>
    %dot_general3A_89 = tpu.matmul %exp3A_87, %concatenate3A_83, %dot_general3A_88 {dimension_numbers = #tpu.dot_dimension_numbers<[1], [0], [0], [1], [0, 0, 1, 1], [], []>, transpose_lhs_hint = false} : vector<512x512xf32>, vector<512x33xf32>, vector<512x33xf32> -> vector<512x33xf32>
    %slice3A_90 = vector.extract_strided_slice %dot_general3A_89 {offsets = [0, 0], sizes = [512, 32], strides = [1, 1]} : vector<512x33xf32> to vector<512x32xf32>
    %slice3A_91 = vector.extract_strided_slice %dot_general3A_89 {offsets = [0, 32], sizes = [512, 1], strides = [1, 1]} : vector<512x33xf32> to vector<512x1xf32>
    %div3A_92 = arith.constant 1.000000e+00 : f32
    %div3A_93 = vector.broadcast %div3A_92 : f32 to vector<512x1xf32>
    %div3A_94 = arith.divf %div3A_93, %slice3A_91 : vector<512x1xf32>
    %mul3A_95 = vector.broadcast %div3A_94 : vector<512x1xf32> to vector<512x32xf32>
    %mul3A_96 = arith.mulf %slice3A_90, %mul3A_95 : vector<512x32xf32>
    %slice3A_97 = vector.extract_strided_slice %mul3A_50 {offsets = [0, 64], sizes = [512, 32], strides = [1, 1]} : vector<512x128xf32> to vector<512x32xf32>
    %slice3A_98 = vector.extract_strided_slice %dot_general3A_57 {offsets = [0, 64], sizes = [512, 32], strides = [1, 1]} : vector<512x128xf32> to vector<512x32xf32>
    %slice3A_99 = vector.extract_strided_slice %dot_general3A_64 {offsets = [0, 64], sizes = [512, 32], strides = [1, 1]} : vector<512x128xf32> to vector<512x32xf32>
    %concatenate3A_100 = tpu.concatenate %slice3A_99, %broadcast_in_dim3A_66 in 1 : vector<512x32xf32>, vector<512x1xf32> -> vector<512x33xf32>
    %dot_general3A_101 = arith.constant dense<0.000000e+00> : vector<512x512xf32>
    %dot_general3A_102 = tpu.matmul %slice3A_97, %slice3A_98, %dot_general3A_101 {dimension_numbers = #tpu.dot_dimension_numbers<[1], [1], [0], [0], [0, 0, 1, 0], [], []>, transpose_lhs_hint = false} : vector<512x32xf32>, vector<512x32xf32>, vector<512x512xf32> -> vector<512x512xf32>
    %add3A_103 = arith.addf %dot_general3A_102, %sub3A_40 : vector<512x512xf32>
    %exp3A_104 = math.exp %add3A_103 : vector<512x512xf32>
    %dot_general3A_105 = arith.constant dense<0.000000e+00> : vector<512x33xf32>
    %dot_general3A_106 = tpu.matmul %exp3A_104, %concatenate3A_100, %dot_general3A_105 {dimension_numbers = #tpu.dot_dimension_numbers<[1], [0], [0], [1], [0, 0, 1, 1], [], []>, transpose_lhs_hint = false} : vector<512x512xf32>, vector<512x33xf32>, vector<512x33xf32> -> vector<512x33xf32>
    %slice3A_107 = vector.extract_strided_slice %dot_general3A_106 {offsets = [0, 0], sizes = [512, 32], strides = [1, 1]} : vector<512x33xf32> to vector<512x32xf32>
    %slice3A_108 = vector.extract_strided_slice %dot_general3A_106 {offsets = [0, 32], sizes = [512, 1], strides = [1, 1]} : vector<512x33xf32> to vector<512x1xf32>
    %div3A_109 = arith.constant 1.000000e+00 : f32
    %div3A_110 = vector.broadcast %div3A_109 : f32 to vector<512x1xf32>
    %div3A_111 = arith.divf %div3A_110, %slice3A_108 : vector<512x1xf32>
    %mul3A_112 = vector.broadcast %div3A_111 : vector<512x1xf32> to vector<512x32xf32>
    %mul3A_113 = arith.mulf %slice3A_107, %mul3A_112 : vector<512x32xf32>
    %slice3A_114 = vector.extract_strided_slice %mul3A_50 {offsets = [0, 96], sizes = [512, 32], strides = [1, 1]} : vector<512x128xf32> to vector<512x32xf32>
    %slice3A_115 = vector.extract_strided_slice %dot_general3A_57 {offsets = [0, 96], sizes = [512, 32], strides = [1, 1]} : vector<512x128xf32> to vector<512x32xf32>
    %slice3A_116 = vector.extract_strided_slice %dot_general3A_64 {offsets = [0, 96], sizes = [512, 32], strides = [1, 1]} : vector<512x128xf32> to vector<512x32xf32>
    %concatenate3A_117 = tpu.concatenate %slice3A_116, %broadcast_in_dim3A_66 in 1 : vector<512x32xf32>, vector<512x1xf32> -> vector<512x33xf32>
    %dot_general3A_118 = arith.constant dense<0.000000e+00> : vector<512x512xf32>
    %dot_general3A_119 = tpu.matmul %slice3A_114, %slice3A_115, %dot_general3A_118 {dimension_numbers = #tpu.dot_dimension_numbers<[1], [1], [0], [0], [0, 0, 1, 0], [], []>, transpose_lhs_hint = false} : vector<512x32xf32>, vector<512x32xf32>, vector<512x512xf32> -> vector<512x512xf32>
    %add3A_120 = arith.addf %dot_general3A_119, %sub3A_40 : vector<512x512xf32>
    %exp3A_121 = math.exp %add3A_120 : vector<512x512xf32>
    %dot_general3A_122 = arith.constant dense<0.000000e+00> : vector<512x33xf32>
    %dot_general3A_123 = tpu.matmul %exp3A_121, %concatenate3A_117, %dot_general3A_122 {dimension_numbers = #tpu.dot_dimension_numbers<[1], [0], [0], [1], [0, 0, 1, 1], [], []>, transpose_lhs_hint = false} : vector<512x512xf32>, vector<512x33xf32>, vector<512x33xf32> -> vector<512x33xf32>
    %slice3A_124 = vector.extract_strided_slice %dot_general3A_123 {offsets = [0, 0], sizes = [512, 32], strides = [1, 1]} : vector<512x33xf32> to vector<512x32xf32>
    %slice3A_125 = vector.extract_strided_slice %dot_general3A_123 {offsets = [0, 32], sizes = [512, 1], strides = [1, 1]} : vector<512x33xf32> to vector<512x1xf32>
    %div3A_126 = arith.constant 1.000000e+00 : f32
    %div3A_127 = vector.broadcast %div3A_126 : f32 to vector<512x1xf32>
    %div3A_128 = arith.divf %div3A_127, %slice3A_125 : vector<512x1xf32>
    %mul3A_129 = vector.broadcast %div3A_128 : vector<512x1xf32> to vector<512x32xf32>
    %mul3A_130 = arith.mulf %slice3A_124, %mul3A_129 : vector<512x32xf32>
    %concatenate3A_131 = tpu.concatenate %mul3A_79, %mul3A_96, %mul3A_113, %mul3A_130 in 1 : vector<512x32xf32>, vector<512x32xf32>, vector<512x32xf32>, vector<512x32xf32> -> vector<512x128xf32>
    %get3A_132 = arith.constant 0 : index
    %get3A_133 = arith.constant 0 : index
    %get3A_134 = arith.constant 0 : index
    %get3A_135 = vector.load %arg11[%get3A_132, %get3A_133, %get3A_134] : memref<3x128x128xf32, #tpu.memory_space<vmem>>, vector<1x128x128xf32>
    %get3A_136 = vector.shape_cast %get3A_135 : vector<1x128x128xf32> to vector<128x128xf32>
    %dot_general3A_137 = arith.constant dense<0.000000e+00> : vector<512x128xf32>
    %dot_general3A_138 = tpu.matmul %concatenate3A_131, %get3A_136, %dot_general3A_137 {dimension_numbers = #tpu.dot_dimension_numbers<[1], [0], [0], [1], [0, 0, 1, 1], [], []>, transpose_lhs_hint = false} : vector<512x128xf32>, vector<128x128xf32>, vector<512x128xf32> -> vector<512x128xf32>
    %add3A_139 = arith.addf %add3A_26, %dot_general3A_138 : vector<512x128xf32>
    %max3A = arith.constant 0.000000e+00 : f32
    %max3A_140 = vector.broadcast %max3A : f32 to vector<512x128xf32>
    %max3A_141 = arith.maximumf %add3A_139, %max3A_140 : vector<512x128xf32>
    %get3A_142 = arith.constant 1 : index
    %get3A_143 = arith.constant 0 : index
    %get3A_144 = arith.constant 0 : index
    %get3A_145 = vector.load %arg8[%get3A_142, %get3A_143, %get3A_144] : memref<3x128x128xf32, #tpu.memory_space<vmem>>, vector<1x128x128xf32>
    %get3A_146 = vector.shape_cast %get3A_145 : vector<1x128x128xf32> to vector<128x128xf32>
    %dot_general3A_147 = arith.constant dense<0.000000e+00> : vector<512x128xf32>
    %dot_general3A_148 = tpu.matmul %max3A_141, %get3A_146, %dot_general3A_147 {dimension_numbers = #tpu.dot_dimension_numbers<[1], [0], [0], [1], [0, 0, 1, 1], [], []>, transpose_lhs_hint = false} : vector<512x128xf32>, vector<128x128xf32>, vector<512x128xf32> -> vector<512x128xf32>
    %mul3A_149 = arith.constant 0.176776692 : f32
    %mul3A_150 = vector.broadcast %mul3A_149 : f32 to vector<512x128xf32>
    %mul3A_151 = arith.mulf %dot_general3A_148, %mul3A_150 : vector<512x128xf32>
    %get3A_152 = arith.constant 1 : index
    %get3A_153 = arith.constant 0 : index
    %get3A_154 = arith.constant 0 : index
    %get3A_155 = vector.load %arg9[%get3A_152, %get3A_153, %get3A_154] : memref<3x128x128xf32, #tpu.memory_space<vmem>>, vector<1x128x128xf32>
    %get3A_156 = vector.shape_cast %get3A_155 : vector<1x128x128xf32> to vector<128x128xf32>
    %dot_general3A_157 = arith.constant dense<0.000000e+00> : vector<512x128xf32>
    %dot_general3A_158 = tpu.matmul %max3A_141, %get3A_156, %dot_general3A_157 {dimension_numbers = #tpu.dot_dimension_numbers<[1], [0], [0], [1], [0, 0, 1, 1], [], []>, transpose_lhs_hint = false} : vector<512x128xf32>, vector<128x128xf32>, vector<512x128xf32> -> vector<512x128xf32>
    %get3A_159 = arith.constant 1 : index
    %get3A_160 = arith.constant 0 : index
    %get3A_161 = arith.constant 0 : index
    %get3A_162 = vector.load %arg10[%get3A_159, %get3A_160, %get3A_161] : memref<3x128x128xf32, #tpu.memory_space<vmem>>, vector<1x128x128xf32>
    %get3A_163 = vector.shape_cast %get3A_162 : vector<1x128x128xf32> to vector<128x128xf32>
    %dot_general3A_164 = arith.constant dense<0.000000e+00> : vector<512x128xf32>
    %dot_general3A_165 = tpu.matmul %max3A_141, %get3A_163, %dot_general3A_164 {dimension_numbers = #tpu.dot_dimension_numbers<[1], [0], [0], [1], [0, 0, 1, 1], [], []>, transpose_lhs_hint = false} : vector<512x128xf32>, vector<128x128xf32>, vector<512x128xf32> -> vector<512x128xf32>
    %broadcast_in_dim3A_166 = arith.constant 1.000000e+00 : f32
    %broadcast_in_dim3A_167 = vector.broadcast %broadcast_in_dim3A_166 : f32 to vector<512x1xf32>
    %slice3A_168 = vector.extract_strided_slice %mul3A_151 {offsets = [0, 0], sizes = [512, 32], strides = [1, 1]} : vector<512x128xf32> to vector<512x32xf32>
    %slice3A_169 = vector.extract_strided_slice %dot_general3A_158 {offsets = [0, 0], sizes = [512, 32], strides = [1, 1]} : vector<512x128xf32> to vector<512x32xf32>
    %slice3A_170 = vector.extract_strided_slice %dot_general3A_165 {offsets = [0, 0], sizes = [512, 32], strides = [1, 1]} : vector<512x128xf32> to vector<512x32xf32>
    %concatenate3A_171 = tpu.concatenate %slice3A_170, %broadcast_in_dim3A_167 in 1 : vector<512x32xf32>, vector<512x1xf32> -> vector<512x33xf32>
    %dot_general3A_172 = arith.constant dense<0.000000e+00> : vector<512x512xf32>
    %dot_general3A_173 = tpu.matmul %slice3A_168, %slice3A_169, %dot_general3A_172 {dimension_numbers = #tpu.dot_dimension_numbers<[1], [1], [0], [0], [0, 0, 1, 0], [], []>, transpose_lhs_hint = false} : vector<512x32xf32>, vector<512x32xf32>, vector<512x512xf32> -> vector<512x512xf32>
    %add3A_174 = arith.addf %dot_general3A_173, %sub3A_40 : vector<512x512xf32>
    %exp3A_175 = math.exp %add3A_174 : vector<512x512xf32>
    %dot_general3A_176 = arith.constant dense<0.000000e+00> : vector<512x33xf32>
    %dot_general3A_177 = tpu.matmul %exp3A_175, %concatenate3A_171, %dot_general3A_176 {dimension_numbers = #tpu.dot_dimension_numbers<[1], [0], [0], [1], [0, 0, 1, 1], [], []>, transpose_lhs_hint = false} : vector<512x512xf32>, vector<512x33xf32>, vector<512x33xf32> -> vector<512x33xf32>
    %slice3A_178 = vector.extract_strided_slice %dot_general3A_177 {offsets = [0, 0], sizes = [512, 32], strides = [1, 1]} : vector<512x33xf32> to vector<512x32xf32>
    %slice3A_179 = vector.extract_strided_slice %dot_general3A_177 {offsets = [0, 32], sizes = [512, 1], strides = [1, 1]} : vector<512x33xf32> to vector<512x1xf32>
    %div3A_180 = arith.constant 1.000000e+00 : f32
    %div3A_181 = vector.broadcast %div3A_180 : f32 to vector<512x1xf32>
    %div3A_182 = arith.divf %div3A_181, %slice3A_179 : vector<512x1xf32>
    %mul3A_183 = vector.broadcast %div3A_182 : vector<512x1xf32> to vector<512x32xf32>
    %mul3A_184 = arith.mulf %slice3A_178, %mul3A_183 : vector<512x32xf32>
    %slice3A_185 = vector.extract_strided_slice %mul3A_151 {offsets = [0, 32], sizes = [512, 32], strides = [1, 1]} : vector<512x128xf32> to vector<512x32xf32>
    %slice3A_186 = vector.extract_strided_slice %dot_general3A_158 {offsets = [0, 32], sizes = [512, 32], strides = [1, 1]} : vector<512x128xf32> to vector<512x32xf32>
    %slice3A_187 = vector.extract_strided_slice %dot_general3A_165 {offsets = [0, 32], sizes = [512, 32], strides = [1, 1]} : vector<512x128xf32> to vector<512x32xf32>
    %concatenate3A_188 = tpu.concatenate %slice3A_187, %broadcast_in_dim3A_167 in 1 : vector<512x32xf32>, vector<512x1xf32> -> vector<512x33xf32>
    %dot_general3A_189 = arith.constant dense<0.000000e+00> : vector<512x512xf32>
    %dot_general3A_190 = tpu.matmul %slice3A_185, %slice3A_186, %dot_general3A_189 {dimension_numbers = #tpu.dot_dimension_numbers<[1], [1], [0], [0], [0, 0, 1, 0], [], []>, transpose_lhs_hint = false} : vector<512x32xf32>, vector<512x32xf32>, vector<512x512xf32> -> vector<512x512xf32>
    %add3A_191 = arith.addf %dot_general3A_190, %sub3A_40 : vector<512x512xf32>
    %exp3A_192 = math.exp %add3A_191 : vector<512x512xf32>
    %dot_general3A_193 = arith.constant dense<0.000000e+00> : vector<512x33xf32>
    %dot_general3A_194 = tpu.matmul %exp3A_192, %concatenate3A_188, %dot_general3A_193 {dimension_numbers = #tpu.dot_dimension_numbers<[1], [0], [0], [1], [0, 0, 1, 1], [], []>, transpose_lhs_hint = false} : vector<512x512xf32>, vector<512x33xf32>, vector<512x33xf32> -> vector<512x33xf32>
    %slice3A_195 = vector.extract_strided_slice %dot_general3A_194 {offsets = [0, 0], sizes = [512, 32], strides = [1, 1]} : vector<512x33xf32> to vector<512x32xf32>
    %slice3A_196 = vector.extract_strided_slice %dot_general3A_194 {offsets = [0, 32], sizes = [512, 1], strides = [1, 1]} : vector<512x33xf32> to vector<512x1xf32>
    %div3A_197 = arith.constant 1.000000e+00 : f32
    %div3A_198 = vector.broadcast %div3A_197 : f32 to vector<512x1xf32>
    %div3A_199 = arith.divf %div3A_198, %slice3A_196 : vector<512x1xf32>
    %mul3A_200 = vector.broadcast %div3A_199 : vector<512x1xf32> to vector<512x32xf32>
    %mul3A_201 = arith.mulf %slice3A_195, %mul3A_200 : vector<512x32xf32>
    %slice3A_202 = vector.extract_strided_slice %mul3A_151 {offsets = [0, 64], sizes = [512, 32], strides = [1, 1]} : vector<512x128xf32> to vector<512x32xf32>
    %slice3A_203 = vector.extract_strided_slice %dot_general3A_158 {offsets = [0, 64], sizes = [512, 32], strides = [1, 1]} : vector<512x128xf32> to vector<512x32xf32>
    %slice3A_204 = vector.extract_strided_slice %dot_general3A_165 {offsets = [0, 64], sizes = [512, 32], strides = [1, 1]} : vector<512x128xf32> to vector<512x32xf32>
    %concatenate3A_205 = tpu.concatenate %slice3A_204, %broadcast_in_dim3A_167 in 1 : vector<512x32xf32>, vector<512x1xf32> -> vector<512x33xf32>
    %dot_general3A_206 = arith.constant dense<0.000000e+00> : vector<512x512xf32>
    %dot_general3A_207 = tpu.matmul %slice3A_202, %slice3A_203, %dot_general3A_206 {dimension_numbers = #tpu.dot_dimension_numbers<[1], [1], [0], [0], [0, 0, 1, 0], [], []>, transpose_lhs_hint = false} : vector<512x32xf32>, vector<512x32xf32>, vector<512x512xf32> -> vector<512x512xf32>
    %add3A_208 = arith.addf %dot_general3A_207, %sub3A_40 : vector<512x512xf32>
    %exp3A_209 = math.exp %add3A_208 : vector<512x512xf32>
    %dot_general3A_210 = arith.constant dense<0.000000e+00> : vector<512x33xf32>
    %dot_general3A_211 = tpu.matmul %exp3A_209, %concatenate3A_205, %dot_general3A_210 {dimension_numbers = #tpu.dot_dimension_numbers<[1], [0], [0], [1], [0, 0, 1, 1], [], []>, transpose_lhs_hint = false} : vector<512x512xf32>, vector<512x33xf32>, vector<512x33xf32> -> vector<512x33xf32>
    %slice3A_212 = vector.extract_strided_slice %dot_general3A_211 {offsets = [0, 0], sizes = [512, 32], strides = [1, 1]} : vector<512x33xf32> to vector<512x32xf32>
    %slice3A_213 = vector.extract_strided_slice %dot_general3A_211 {offsets = [0, 32], sizes = [512, 1], strides = [1, 1]} : vector<512x33xf32> to vector<512x1xf32>
    %div3A_214 = arith.constant 1.000000e+00 : f32
    %div3A_215 = vector.broadcast %div3A_214 : f32 to vector<512x1xf32>
    %div3A_216 = arith.divf %div3A_215, %slice3A_213 : vector<512x1xf32>
    %mul3A_217 = vector.broadcast %div3A_216 : vector<512x1xf32> to vector<512x32xf32>
    %mul3A_218 = arith.mulf %slice3A_212, %mul3A_217 : vector<512x32xf32>
    %slice3A_219 = vector.extract_strided_slice %mul3A_151 {offsets = [0, 96], sizes = [512, 32], strides = [1, 1]} : vector<512x128xf32> to vector<512x32xf32>
    %slice3A_220 = vector.extract_strided_slice %dot_general3A_158 {offsets = [0, 96], sizes = [512, 32], strides = [1, 1]} : vector<512x128xf32> to vector<512x32xf32>
    %slice3A_221 = vector.extract_strided_slice %dot_general3A_165 {offsets = [0, 96], sizes = [512, 32], strides = [1, 1]} : vector<512x128xf32> to vector<512x32xf32>
    %concatenate3A_222 = tpu.concatenate %slice3A_221, %broadcast_in_dim3A_167 in 1 : vector<512x32xf32>, vector<512x1xf32> -> vector<512x33xf32>
    %dot_general3A_223 = arith.constant dense<0.000000e+00> : vector<512x512xf32>
    %dot_general3A_224 = tpu.matmul %slice3A_219, %slice3A_220, %dot_general3A_223 {dimension_numbers = #tpu.dot_dimension_numbers<[1], [1], [0], [0], [0, 0, 1, 0], [], []>, transpose_lhs_hint = false} : vector<512x32xf32>, vector<512x32xf32>, vector<512x512xf32> -> vector<512x512xf32>
    %add3A_225 = arith.addf %dot_general3A_224, %sub3A_40 : vector<512x512xf32>
    %exp3A_226 = math.exp %add3A_225 : vector<512x512xf32>
    %dot_general3A_227 = arith.constant dense<0.000000e+00> : vector<512x33xf32>
    %dot_general3A_228 = tpu.matmul %exp3A_226, %concatenate3A_222, %dot_general3A_227 {dimension_numbers = #tpu.dot_dimension_numbers<[1], [0], [0], [1], [0, 0, 1, 1], [], []>, transpose_lhs_hint = false} : vector<512x512xf32>, vector<512x33xf32>, vector<512x33xf32> -> vector<512x33xf32>
    %slice3A_229 = vector.extract_strided_slice %dot_general3A_228 {offsets = [0, 0], sizes = [512, 32], strides = [1, 1]} : vector<512x33xf32> to vector<512x32xf32>
    %slice3A_230 = vector.extract_strided_slice %dot_general3A_228 {offsets = [0, 32], sizes = [512, 1], strides = [1, 1]} : vector<512x33xf32> to vector<512x1xf32>
    %div3A_231 = arith.constant 1.000000e+00 : f32
    %div3A_232 = vector.broadcast %div3A_231 : f32 to vector<512x1xf32>
    %div3A_233 = arith.divf %div3A_232, %slice3A_230 : vector<512x1xf32>
    %mul3A_234 = vector.broadcast %div3A_233 : vector<512x1xf32> to vector<512x32xf32>
    %mul3A_235 = arith.mulf %slice3A_229, %mul3A_234 : vector<512x32xf32>
    %concatenate3A_236 = tpu.concatenate %mul3A_184, %mul3A_201, %mul3A_218, %mul3A_235 in 1 : vector<512x32xf32>, vector<512x32xf32>, vector<512x32xf32>, vector<512x32xf32> -> vector<512x128xf32>
    %get3A_237 = arith.constant 1 : index
    %get3A_238 = arith.constant 0 : index
    %get3A_239 = arith.constant 0 : index
    %get3A_240 = vector.load %arg11[%get3A_237, %get3A_238, %get3A_239] : memref<3x128x128xf32, #tpu.memory_space<vmem>>, vector<1x128x128xf32>
    %get3A_241 = vector.shape_cast %get3A_240 : vector<1x128x128xf32> to vector<128x128xf32>
    %dot_general3A_242 = arith.constant dense<0.000000e+00> : vector<512x128xf32>
    %dot_general3A_243 = tpu.matmul %concatenate3A_236, %get3A_241, %dot_general3A_242 {dimension_numbers = #tpu.dot_dimension_numbers<[1], [0], [0], [1], [0, 0, 1, 1], [], []>, transpose_lhs_hint = false} : vector<512x128xf32>, vector<128x128xf32>, vector<512x128xf32> -> vector<512x128xf32>
    %add3A_244 = arith.addf %max3A_141, %dot_general3A_243 : vector<512x128xf32>
    %max3A_245 = arith.constant 0.000000e+00 : f32
    %max3A_246 = vector.broadcast %max3A_245 : f32 to vector<512x128xf32>
    %max3A_247 = arith.maximumf %add3A_244, %max3A_246 : vector<512x128xf32>
    %get3A_248 = arith.constant 2 : index
    %get3A_249 = arith.constant 0 : index
    %get3A_250 = arith.constant 0 : index
    %get3A_251 = vector.load %arg8[%get3A_248, %get3A_249, %get3A_250] : memref<3x128x128xf32, #tpu.memory_space<vmem>>, vector<1x128x128xf32>
    %get3A_252 = vector.shape_cast %get3A_251 : vector<1x128x128xf32> to vector<128x128xf32>
    %dot_general3A_253 = arith.constant dense<0.000000e+00> : vector<512x128xf32>
    %dot_general3A_254 = tpu.matmul %max3A_247, %get3A_252, %dot_general3A_253 {dimension_numbers = #tpu.dot_dimension_numbers<[1], [0], [0], [1], [0, 0, 1, 1], [], []>, transpose_lhs_hint = false} : vector<512x128xf32>, vector<128x128xf32>, vector<512x128xf32> -> vector<512x128xf32>
    %mul3A_255 = arith.constant 0.176776692 : f32
    %mul3A_256 = vector.broadcast %mul3A_255 : f32 to vector<512x128xf32>
    %mul3A_257 = arith.mulf %dot_general3A_254, %mul3A_256 : vector<512x128xf32>
    %get3A_258 = arith.constant 2 : index
    %get3A_259 = arith.constant 0 : index
    %get3A_260 = arith.constant 0 : index
    %get3A_261 = vector.load %arg9[%get3A_258, %get3A_259, %get3A_260] : memref<3x128x128xf32, #tpu.memory_space<vmem>>, vector<1x128x128xf32>
    %get3A_262 = vector.shape_cast %get3A_261 : vector<1x128x128xf32> to vector<128x128xf32>
    %dot_general3A_263 = arith.constant dense<0.000000e+00> : vector<512x128xf32>
    %dot_general3A_264 = tpu.matmul %max3A_247, %get3A_262, %dot_general3A_263 {dimension_numbers = #tpu.dot_dimension_numbers<[1], [0], [0], [1], [0, 0, 1, 1], [], []>, transpose_lhs_hint = false} : vector<512x128xf32>, vector<128x128xf32>, vector<512x128xf32> -> vector<512x128xf32>
    %get3A_265 = arith.constant 2 : index
    %get3A_266 = arith.constant 0 : index
    %get3A_267 = arith.constant 0 : index
    %get3A_268 = vector.load %arg10[%get3A_265, %get3A_266, %get3A_267] : memref<3x128x128xf32, #tpu.memory_space<vmem>>, vector<1x128x128xf32>
    %get3A_269 = vector.shape_cast %get3A_268 : vector<1x128x128xf32> to vector<128x128xf32>
    %dot_general3A_270 = arith.constant dense<0.000000e+00> : vector<512x128xf32>
    %dot_general3A_271 = tpu.matmul %max3A_247, %get3A_269, %dot_general3A_270 {dimension_numbers = #tpu.dot_dimension_numbers<[1], [0], [0], [1], [0, 0, 1, 1], [], []>, transpose_lhs_hint = false} : vector<512x128xf32>, vector<128x128xf32>, vector<512x128xf32> -> vector<512x128xf32>
    %broadcast_in_dim3A_272 = arith.constant 1.000000e+00 : f32
    %broadcast_in_dim3A_273 = vector.broadcast %broadcast_in_dim3A_272 : f32 to vector<512x1xf32>
    %slice3A_274 = vector.extract_strided_slice %mul3A_257 {offsets = [0, 0], sizes = [512, 32], strides = [1, 1]} : vector<512x128xf32> to vector<512x32xf32>
    %slice3A_275 = vector.extract_strided_slice %dot_general3A_264 {offsets = [0, 0], sizes = [512, 32], strides = [1, 1]} : vector<512x128xf32> to vector<512x32xf32>
    %slice3A_276 = vector.extract_strided_slice %dot_general3A_271 {offsets = [0, 0], sizes = [512, 32], strides = [1, 1]} : vector<512x128xf32> to vector<512x32xf32>
    %concatenate3A_277 = tpu.concatenate %slice3A_276, %broadcast_in_dim3A_273 in 1 : vector<512x32xf32>, vector<512x1xf32> -> vector<512x33xf32>
    %dot_general3A_278 = arith.constant dense<0.000000e+00> : vector<512x512xf32>
    %dot_general3A_279 = tpu.matmul %slice3A_274, %slice3A_275, %dot_general3A_278 {dimension_numbers = #tpu.dot_dimension_numbers<[1], [1], [0], [0], [0, 0, 1, 0], [], []>, transpose_lhs_hint = false} : vector<512x32xf32>, vector<512x32xf32>, vector<512x512xf32> -> vector<512x512xf32>
    %add3A_280 = arith.addf %dot_general3A_279, %sub3A_40 : vector<512x512xf32>
    %exp3A_281 = math.exp %add3A_280 : vector<512x512xf32>
    %dot_general3A_282 = arith.constant dense<0.000000e+00> : vector<512x33xf32>
    %dot_general3A_283 = tpu.matmul %exp3A_281, %concatenate3A_277, %dot_general3A_282 {dimension_numbers = #tpu.dot_dimension_numbers<[1], [0], [0], [1], [0, 0, 1, 1], [], []>, transpose_lhs_hint = false} : vector<512x512xf32>, vector<512x33xf32>, vector<512x33xf32> -> vector<512x33xf32>
    %slice3A_284 = vector.extract_strided_slice %dot_general3A_283 {offsets = [0, 0], sizes = [512, 32], strides = [1, 1]} : vector<512x33xf32> to vector<512x32xf32>
    %slice3A_285 = vector.extract_strided_slice %dot_general3A_283 {offsets = [0, 32], sizes = [512, 1], strides = [1, 1]} : vector<512x33xf32> to vector<512x1xf32>
    %div3A_286 = arith.constant 1.000000e+00 : f32
    %div3A_287 = vector.broadcast %div3A_286 : f32 to vector<512x1xf32>
    %div3A_288 = arith.divf %div3A_287, %slice3A_285 : vector<512x1xf32>
    %mul3A_289 = vector.broadcast %div3A_288 : vector<512x1xf32> to vector<512x32xf32>
    %mul3A_290 = arith.mulf %slice3A_284, %mul3A_289 : vector<512x32xf32>
    %slice3A_291 = vector.extract_strided_slice %mul3A_257 {offsets = [0, 32], sizes = [512, 32], strides = [1, 1]} : vector<512x128xf32> to vector<512x32xf32>
    %slice3A_292 = vector.extract_strided_slice %dot_general3A_264 {offsets = [0, 32], sizes = [512, 32], strides = [1, 1]} : vector<512x128xf32> to vector<512x32xf32>
    %slice3A_293 = vector.extract_strided_slice %dot_general3A_271 {offsets = [0, 32], sizes = [512, 32], strides = [1, 1]} : vector<512x128xf32> to vector<512x32xf32>
    %concatenate3A_294 = tpu.concatenate %slice3A_293, %broadcast_in_dim3A_273 in 1 : vector<512x32xf32>, vector<512x1xf32> -> vector<512x33xf32>
    %dot_general3A_295 = arith.constant dense<0.000000e+00> : vector<512x512xf32>
    %dot_general3A_296 = tpu.matmul %slice3A_291, %slice3A_292, %dot_general3A_295 {dimension_numbers = #tpu.dot_dimension_numbers<[1], [1], [0], [0], [0, 0, 1, 0], [], []>, transpose_lhs_hint = false} : vector<512x32xf32>, vector<512x32xf32>, vector<512x512xf32> -> vector<512x512xf32>
    %add3A_297 = arith.addf %dot_general3A_296, %sub3A_40 : vector<512x512xf32>
    %exp3A_298 = math.exp %add3A_297 : vector<512x512xf32>
    %dot_general3A_299 = arith.constant dense<0.000000e+00> : vector<512x33xf32>
    %dot_general3A_300 = tpu.matmul %exp3A_298, %concatenate3A_294, %dot_general3A_299 {dimension_numbers = #tpu.dot_dimension_numbers<[1], [0], [0], [1], [0, 0, 1, 1], [], []>, transpose_lhs_hint = false} : vector<512x512xf32>, vector<512x33xf32>, vector<512x33xf32> -> vector<512x33xf32>
    %slice3A_301 = vector.extract_strided_slice %dot_general3A_300 {offsets = [0, 0], sizes = [512, 32], strides = [1, 1]} : vector<512x33xf32> to vector<512x32xf32>
    %slice3A_302 = vector.extract_strided_slice %dot_general3A_300 {offsets = [0, 32], sizes = [512, 1], strides = [1, 1]} : vector<512x33xf32> to vector<512x1xf32>
    %div3A_303 = arith.constant 1.000000e+00 : f32
    %div3A_304 = vector.broadcast %div3A_303 : f32 to vector<512x1xf32>
    %div3A_305 = arith.divf %div3A_304, %slice3A_302 : vector<512x1xf32>
    %mul3A_306 = vector.broadcast %div3A_305 : vector<512x1xf32> to vector<512x32xf32>
    %mul3A_307 = arith.mulf %slice3A_301, %mul3A_306 : vector<512x32xf32>
    %slice3A_308 = vector.extract_strided_slice %mul3A_257 {offsets = [0, 64], sizes = [512, 32], strides = [1, 1]} : vector<512x128xf32> to vector<512x32xf32>
    %slice3A_309 = vector.extract_strided_slice %dot_general3A_264 {offsets = [0, 64], sizes = [512, 32], strides = [1, 1]} : vector<512x128xf32> to vector<512x32xf32>
    %slice3A_310 = vector.extract_strided_slice %dot_general3A_271 {offsets = [0, 64], sizes = [512, 32], strides = [1, 1]} : vector<512x128xf32> to vector<512x32xf32>
    %concatenate3A_311 = tpu.concatenate %slice3A_310, %broadcast_in_dim3A_273 in 1 : vector<512x32xf32>, vector<512x1xf32> -> vector<512x33xf32>
    %dot_general3A_312 = arith.constant dense<0.000000e+00> : vector<512x512xf32>
    %dot_general3A_313 = tpu.matmul %slice3A_308, %slice3A_309, %dot_general3A_312 {dimension_numbers = #tpu.dot_dimension_numbers<[1], [1], [0], [0], [0, 0, 1, 0], [], []>, transpose_lhs_hint = false} : vector<512x32xf32>, vector<512x32xf32>, vector<512x512xf32> -> vector<512x512xf32>
    %add3A_314 = arith.addf %dot_general3A_313, %sub3A_40 : vector<512x512xf32>
    %exp3A_315 = math.exp %add3A_314 : vector<512x512xf32>
    %dot_general3A_316 = arith.constant dense<0.000000e+00> : vector<512x33xf32>
    %dot_general3A_317 = tpu.matmul %exp3A_315, %concatenate3A_311, %dot_general3A_316 {dimension_numbers = #tpu.dot_dimension_numbers<[1], [0], [0], [1], [0, 0, 1, 1], [], []>, transpose_lhs_hint = false} : vector<512x512xf32>, vector<512x33xf32>, vector<512x33xf32> -> vector<512x33xf32>
    %slice3A_318 = vector.extract_strided_slice %dot_general3A_317 {offsets = [0, 0], sizes = [512, 32], strides = [1, 1]} : vector<512x33xf32> to vector<512x32xf32>
    %slice3A_319 = vector.extract_strided_slice %dot_general3A_317 {offsets = [0, 32], sizes = [512, 1], strides = [1, 1]} : vector<512x33xf32> to vector<512x1xf32>
    %div3A_320 = arith.constant 1.000000e+00 : f32
    %div3A_321 = vector.broadcast %div3A_320 : f32 to vector<512x1xf32>
    %div3A_322 = arith.divf %div3A_321, %slice3A_319 : vector<512x1xf32>
    %mul3A_323 = vector.broadcast %div3A_322 : vector<512x1xf32> to vector<512x32xf32>
    %mul3A_324 = arith.mulf %slice3A_318, %mul3A_323 : vector<512x32xf32>
    %slice3A_325 = vector.extract_strided_slice %mul3A_257 {offsets = [0, 96], sizes = [512, 32], strides = [1, 1]} : vector<512x128xf32> to vector<512x32xf32>
    %slice3A_326 = vector.extract_strided_slice %dot_general3A_264 {offsets = [0, 96], sizes = [512, 32], strides = [1, 1]} : vector<512x128xf32> to vector<512x32xf32>
    %slice3A_327 = vector.extract_strided_slice %dot_general3A_271 {offsets = [0, 96], sizes = [512, 32], strides = [1, 1]} : vector<512x128xf32> to vector<512x32xf32>
    %concatenate3A_328 = tpu.concatenate %slice3A_327, %broadcast_in_dim3A_273 in 1 : vector<512x32xf32>, vector<512x1xf32> -> vector<512x33xf32>
    %dot_general3A_329 = arith.constant dense<0.000000e+00> : vector<512x512xf32>
    %dot_general3A_330 = tpu.matmul %slice3A_325, %slice3A_326, %dot_general3A_329 {dimension_numbers = #tpu.dot_dimension_numbers<[1], [1], [0], [0], [0, 0, 1, 0], [], []>, transpose_lhs_hint = false} : vector<512x32xf32>, vector<512x32xf32>, vector<512x512xf32> -> vector<512x512xf32>
    %add3A_331 = arith.addf %dot_general3A_330, %sub3A_40 : vector<512x512xf32>
    %exp3A_332 = math.exp %add3A_331 : vector<512x512xf32>
    %dot_general3A_333 = arith.constant dense<0.000000e+00> : vector<512x33xf32>
    %dot_general3A_334 = tpu.matmul %exp3A_332, %concatenate3A_328, %dot_general3A_333 {dimension_numbers = #tpu.dot_dimension_numbers<[1], [0], [0], [1], [0, 0, 1, 1], [], []>, transpose_lhs_hint = false} : vector<512x512xf32>, vector<512x33xf32>, vector<512x33xf32> -> vector<512x33xf32>
    %slice3A_335 = vector.extract_strided_slice %dot_general3A_334 {offsets = [0, 0], sizes = [512, 32], strides = [1, 1]} : vector<512x33xf32> to vector<512x32xf32>
    %slice3A_336 = vector.extract_strided_slice %dot_general3A_334 {offsets = [0, 32], sizes = [512, 1], strides = [1, 1]} : vector<512x33xf32> to vector<512x1xf32>
    %div3A_337 = arith.constant 1.000000e+00 : f32
    %div3A_338 = vector.broadcast %div3A_337 : f32 to vector<512x1xf32>
    %div3A_339 = arith.divf %div3A_338, %slice3A_336 : vector<512x1xf32>
    %mul3A_340 = vector.broadcast %div3A_339 : vector<512x1xf32> to vector<512x32xf32>
    %mul3A_341 = arith.mulf %slice3A_335, %mul3A_340 : vector<512x32xf32>
    %concatenate3A_342 = tpu.concatenate %mul3A_290, %mul3A_307, %mul3A_324, %mul3A_341 in 1 : vector<512x32xf32>, vector<512x32xf32>, vector<512x32xf32>, vector<512x32xf32> -> vector<512x128xf32>
    %get3A_343 = arith.constant 2 : index
    %get3A_344 = arith.constant 0 : index
    %get3A_345 = arith.constant 0 : index
    %get3A_346 = vector.load %arg11[%get3A_343, %get3A_344, %get3A_345] : memref<3x128x128xf32, #tpu.memory_space<vmem>>, vector<1x128x128xf32>
    %get3A_347 = vector.shape_cast %get3A_346 : vector<1x128x128xf32> to vector<128x128xf32>
    %dot_general3A_348 = arith.constant dense<0.000000e+00> : vector<512x128xf32>
    %dot_general3A_349 = tpu.matmul %concatenate3A_342, %get3A_347, %dot_general3A_348 {dimension_numbers = #tpu.dot_dimension_numbers<[1], [0], [0], [1], [0, 0, 1, 1], [], []>, transpose_lhs_hint = false} : vector<512x128xf32>, vector<128x128xf32>, vector<512x128xf32> -> vector<512x128xf32>
    %add3A_350 = arith.addf %max3A_247, %dot_general3A_349 : vector<512x128xf32>
    %max3A_351 = arith.constant 0.000000e+00 : f32
    %max3A_352 = vector.broadcast %max3A_351 : f32 to vector<512x128xf32>
    %max3A_353 = arith.maximumf %add3A_350, %max3A_352 : vector<512x128xf32>
    %get3A_354 = arith.constant 0 : index
    %get3A_355 = arith.constant 0 : index
    %get3A_356 = vector.load %arg12[%get3A_354, %get3A_355] : memref<128x256xf32, #tpu.memory_space<vmem>>, vector<128x256xf32>
    %dot_general3A_357 = arith.constant dense<0.000000e+00> : vector<512x256xf32>
    %dot_general3A_358 = tpu.matmul %max3A_353, %get3A_356, %dot_general3A_357 {dimension_numbers = #tpu.dot_dimension_numbers<[1], [0], [0], [1], [0, 0, 1, 1], [], []>, transpose_lhs_hint = false} : vector<512x128xf32>, vector<128x256xf32>, vector<512x256xf32> -> vector<512x256xf32>
    %get3A_359 = arith.constant 0 : index
    %get3A_360 = arith.constant 0 : index
    %get3A_361 = vector.load %arg13[%get3A_359, %get3A_360] : memref<1x256xf32, #tpu.memory_space<vmem>>, vector<1x256xf32>
    %add3A_362 = vector.broadcast %get3A_361 : vector<1x256xf32> to vector<512x256xf32>
    %add3A_363 = arith.addf %dot_general3A_358, %add3A_362 : vector<512x256xf32>
    %max3A_364 = arith.constant 0.000000e+00 : f32
    %max3A_365 = vector.broadcast %max3A_364 : f32 to vector<512x256xf32>
    %max3A_366 = arith.maximumf %add3A_363, %max3A_365 : vector<512x256xf32>
    %get3A_367 = arith.constant 0 : index
    %get3A_368 = arith.constant 0 : index
    %get3A_369 = vector.load %arg14[%get3A_367, %get3A_368] : memref<256x128xf32, #tpu.memory_space<vmem>>, vector<256x128xf32>
    %dot_general3A_370 = arith.constant dense<0.000000e+00> : vector<512x128xf32>
    %dot_general3A_371 = tpu.matmul %max3A_366, %get3A_369, %dot_general3A_370 {dimension_numbers = #tpu.dot_dimension_numbers<[1], [0], [0], [1], [0, 0, 1, 1], [], []>, transpose_lhs_hint = false} : vector<512x256xf32>, vector<256x128xf32>, vector<512x128xf32> -> vector<512x128xf32>
    %get3A_372 = arith.constant 0 : index
    %get3A_373 = arith.constant 0 : index
    %get3A_374 = vector.load %arg15[%get3A_372, %get3A_373] : memref<1x128xf32, #tpu.memory_space<vmem>>, vector<1x128xf32>
    %add3A_375 = vector.broadcast %get3A_374 : vector<1x128xf32> to vector<512x128xf32>
    %add3A_376 = arith.addf %dot_general3A_371, %add3A_375 : vector<512x128xf32>
    %swap3A = arith.constant 0 : index
    %swap3A_377 = arith.constant 0 : index
    %swap3A_378 = arith.constant 0 : index
    %swap3A_379 = vector.load %arg16[%swap3A, %swap3A_377, %swap3A_378] : memref<1x512x128xf32, #tpu.memory_space<vmem>>, vector<1x512x128xf32>
    %swap3A_380 = vector.shape_cast %swap3A_379 : vector<1x512x128xf32> to vector<512x128xf32>
    %swap3A_381 = vector.shape_cast %add3A_376 : vector<512x128xf32> to vector<1x512x128xf32>
    tpu.vector_store %arg16[%swap3A, %swap3A_377, %swap3A_378], %swap3A_381 {strides = array<i32>} : memref<1x512x128xf32, #tpu.memory_space<vmem>>, vector<1x512x128xf32>,
    %sub3A_382 = arith.subf %add3A_376, %get3A_3 : vector<512x128xf32>
    %integer_pow3A = arith.mulf %sub3A_382, %sub3A_382 : vector<512x128xf32>
    %reduce_sum3A = arith.constant dense<0.000000e+00> : vector<512xf32>
    %reduce_sum3A_383 = vector.multi_reduction <add>, %integer_pow3A, %reduce_sum3A [1] : vector<512x128xf32> to vector<512xf32>
    %broadcast_in_dim3A_384 = vector.shape_cast %reduce_sum3A_383 : vector<512xf32> to vector<512x1xf32>
    %div3A_385 = arith.constant 1.280000e+02 : f32
    %div3A_386 = vector.broadcast %div3A_385 : f32 to vector<512x1xf32>
    %div3A_387 = arith.divf %broadcast_in_dim3A_384, %div3A_386 : vector<512x1xf32>
    %mul3A_388 = arith.mulf %div3A_387, %get3A_8 : vector<512x1xf32>
    %reduce_sum3A_389 = arith.constant dense<0.000000e+00> : vector<1xf32>
    %reduce_sum3A_390 = vector.multi_reduction <add>, %mul3A_388, %reduce_sum3A_389 [0] : vector<512x1xf32> to vector<1xf32>
    %broadcast_in_dim3A_391 = vector.shape_cast %reduce_sum3A_390 : vector<1xf32> to vector<1x1xf32>
    %swap3A_392 = arith.constant 0 : index
    %swap3A_393 = arith.constant 0 : index
    %swap3A_394 = arith.constant 0 : index
    %swap3A_395 = vector.load %arg17[%swap3A_392, %swap3A_393, %swap3A_394] : memref<1x1x1xf32, #tpu.memory_space<vmem>>, vector<1x1x1xf32>
    %swap3A_396 = vector.shape_cast %swap3A_395 : vector<1x1x1xf32> to vector<1x1xf32>
    %swap3A_397 = vector.shape_cast %broadcast_in_dim3A_391 : vector<1x1xf32> to vector<1x1x1xf32>
    tpu.vector_store %arg17[%swap3A_392, %swap3A_393, %swap3A_394], %swap3A_397 {strides = array<i32>} : memref<1x1x1xf32, #tpu.memory_space<vmem>>, vector<1x1x1xf32>,
    return
  }
  func.func @transform_0(%arg0: i32) -> (i32, i32, i32) {
    %c0_i32 = arith.constant 0 : i32
    %c0_i32_0 = arith.constant 0 : i32
    %c0_i32_1 = arith.constant 0 : i32
    return %arg0, %c0_i32, %c0_i32_0 : i32, i32, i32
  }
  func.func @transform_1(%arg0: i32) -> (i32, i32, i32) {
    %c0_i32 = arith.constant 0 : i32
    %c0_i32_0 = arith.constant 0 : i32
    %c0_i32_1 = arith.constant 0 : i32
    return %arg0, %c0_i32, %c0_i32_0 : i32, i32, i32
  }
  func.func @transform_2(%arg0: i32) -> (i32, i32, i32) {
    %c0_i32 = arith.constant 0 : i32
    %c0_i32_0 = arith.constant 0 : i32
    %c0_i32_1 = arith.constant 0 : i32
    return %arg0, %c0_i32, %c0_i32_0 : i32, i32, i32
  }
  func.func @transform_3(%arg0: i32) -> (i32, i32, i32) {
    %c0_i32 = arith.constant 0 : i32
    %c0_i32_0 = arith.constant 0 : i32
    %c0_i32_1 = arith.constant 0 : i32
    return %arg0, %c0_i32, %c0_i32_0 : i32, i32, i32
  }
  func.func @transform_4(%arg0: i32) -> (i32, i32) {
    %c0_i32 = arith.constant 0 : i32
    %c0_i32_0 = arith.constant 0 : i32
    %c0_i32_1 = arith.constant 0 : i32
    return %c0_i32, %c0_i32_0 : i32, i32
  }
  func.func @transform_5(%arg0: i32) -> (i32, i32) {
    %c0_i32 = arith.constant 0 : i32
    %c0_i32_0 = arith.constant 0 : i32
    %c0_i32_1 = arith.constant 0 : i32
    return %c0_i32, %c0_i32_0 : i32, i32
  }
  func.func @transform_6(%arg0: i32) -> (i32, i32) {
    %c0_i32 = arith.constant 0 : i32
    %c0_i32_0 = arith.constant 0 : i32
    %c0_i32_1 = arith.constant 0 : i32
    return %c0_i32, %c0_i32_0 : i32, i32
  }
  func.func @transform_7(%arg0: i32) -> (i32, i32, i32) {
    %c0_i32 = arith.constant 0 : i32
    %c0_i32_0 = arith.constant 0 : i32
    %c0_i32_1 = arith.constant 0 : i32
    %c0_i32_2 = arith.constant 0 : i32
    return %c0_i32, %c0_i32_0, %c0_i32_1 : i32, i32, i32
  }
  func.func @transform_8(%arg0: i32) -> (i32, i32, i32) {
    %c0_i32 = arith.constant 0 : i32
    %c0_i32_0 = arith.constant 0 : i32
    %c0_i32_1 = arith.constant 0 : i32
    %c0_i32_2 = arith.constant 0 : i32
    return %c0_i32, %c0_i32_0, %c0_i32_1 : i32, i32, i32
  }
  func.func @transform_9(%arg0: i32) -> (i32, i32, i32) {
    %c0_i32 = arith.constant 0 : i32
    %c0_i32_0 = arith.constant 0 : i32
    %c0_i32_1 = arith.constant 0 : i32
    %c0_i32_2 = arith.constant 0 : i32
    return %c0_i32, %c0_i32_0, %c0_i32_1 : i32, i32, i32
  }
  func.func @transform_10(%arg0: i32) -> (i32, i32, i32) {
    %c0_i32 = arith.constant 0 : i32
    %c0_i32_0 = arith.constant 0 : i32
    %c0_i32_1 = arith.constant 0 : i32
    %c0_i32_2 = arith.constant 0 : i32
    return %c0_i32, %c0_i32_0, %c0_i32_1 : i32, i32, i32
  }
  func.func @transform_11(%arg0: i32) -> (i32, i32) {
    %c0_i32 = arith.constant 0 : i32
    %c0_i32_0 = arith.constant 0 : i32
    %c0_i32_1 = arith.constant 0 : i32
    return %c0_i32, %c0_i32_0 : i32, i32
  }
  func.func @transform_12(%arg0: i32) -> (i32, i32) {
    %c0_i32 = arith.constant 0 : i32
    %c0_i32_0 = arith.constant 0 : i32
    %c0_i32_1 = arith.constant 0 : i32
    return %c0_i32, %c0_i32_0 : i32, i32
  }
  func.func @transform_13(%arg0: i32) -> (i32, i32) {
    %c0_i32 = arith.constant 0 : i32
    %c0_i32_0 = arith.constant 0 : i32
    %c0_i32_1 = arith.constant 0 : i32
    return %c0_i32, %c0_i32_0 : i32, i32
  }
  func.func @transform_14(%arg0: i32) -> (i32, i32) {
    %c0_i32 = arith.constant 0 : i32
    %c0_i32_0 = arith.constant 0 : i32
    %c0_i32_1 = arith.constant 0 : i32
    return %c0_i32, %c0_i32_0 : i32, i32
  }
  func.func @transform_15(%arg0: i32) -> (i32, i32, i32) {
    %c0_i32 = arith.constant 0 : i32
    %c0_i32_0 = arith.constant 0 : i32
    %c0_i32_1 = arith.constant 0 : i32
    return %arg0, %c0_i32, %c0_i32_0 : i32, i32, i32
  }
  func.func @transform_16(%arg0: i32) -> (i32, i32, i32) {
    %c0_i32 = arith.constant 0 : i32
    %c0_i32_0 = arith.constant 0 : i32
    %c0_i32_1 = arith.constant 0 : i32
    return %arg0, %c0_i32, %c0_i32_0 : i32, i32, i32
  }
}

</mosaic_0001>

<sc_bundles>
// kernel: gather_offload_async_start
scs
__scs_entry_jumppad:
0x0: {  	(pc) =	sbr.rel $0x88, $3  }
0x1: {  	(tag) =	ssettag $0x0;
	lr =	simm.s32 $0x1  }
0x2: {  	[smem:$0x3F93] =	sst lr;
	_ =	strace $0xD0000000  }
0x3: {  	_ = 	snop  }
0x4: {  	_ = 	snop  }
0x5: {  	_ = 	snop  }
0x6: {  	_ = 	snop  }
0x7: {  	_ = 	snop  }
__scs_overlays_trampoline_lowered:
0x8: {  	[smem:$0x3FA2] =	sst s0  }
0x9: {  	[smem:$0x3FA3] =	sst s1  }
0xa: {  	[smem:$0x3FA4] =	sst s2  }
0xb: {  	[smem:$0x3FA5] =	sst s3  }
0xc: {  	[smem:$0x3FA6] =	sst s4  }
0xd: {  	[smem:$0x3FA7] =	sst s5  }
0xe: {  	[smem:$0x3FA8] =	sst s6  }
0xf: {  	[smem:$0x3FA9] =	sst s7  }
0x10: {  	[smem:$0x3FAA] =	sst s8  }
0x11: {  	[smem:$0x3FAB] =	sst s9;
	s0 =	simm.s32 @!p0 $0x0  }
0x12: {  	s1 =	sld [smem:$0x3F91];
	s0 =	simm.s32 @p0 $0x1  }
0x13: {  	[smem:$0x3FAC] =	sst s0;
	s0 =	simm.s32 @!p1 $0x0  }
0x14: {  	s2 =	sld [smem:$0x3F90];
	s0 =	simm.s32 @p1 $0x1  }
0x15: {  	[smem:$0x3FAD] =	sst s0;
	s0 =	simm.s32 @!p2 $0x0  }
0x16: {  	s3 =	sld [smem:$0x3FDB];
	s0 =	simm.s32 @p2 $0x1  }
0x17: {  	s4 =	simm.s32 $0x1BF5;
	[smem:$0x3FAF] =	sst s0  }
0x18: {  	s0 =	sld [smem:$0x3F92];
	_ =	swait.ge [sflag:s4], $0x0  }
0x19: {  	s7 =	sld [smem:$0x3F93]  }
0x1a: {  	s8 =	sadd.s32 $0xFFFFE003, lr  }
0x1b: {  	s9 =	sadd.s32 $0xFFFFFEF7, lr;
	s5 =	simm.s32 $0xFFFFFFFF;
	p2 =	slt.u32 s8, $0xFFFFF086  }
0x1c: {  	p1 =	slt.u32 s9, $0xF7A;
	s5 =	simm.s32 @!p2 $0x0  }
0x1d: {  	s5 =	simm.s32 @p1 $0x1;
	p0 =	seq.s32 s7, s2  }
0x1e: {  	s7 =	smul.u32 @!p0 $0xF7A, s2;
	p2 =	seq.s32 @!p0 s5, $0x0  }
0x1f: {  	s9 =	smul.u32 $0xF7A, s1;
	s8 =	simm.s32 @!p0 $0x1BF5;
	p2 =	por !p2, p0  }
0x20: {  	[sflag:s8] =	ssyncset.s32 @!p0 $0xFFFFF086;
	s6 =	sadd.s32 @!p0 s3, s7;
	s7 =	simm.s32 @!p0 $0x108  }
0x21: {  	s3 =	sadd.s32 s3, s9;
	s6 =	sadd.s32 @!p0 $0x88, s6;
	s7 =	simm.s32 @p2 $0x1082  }
0x22: {  	[simem:s7], [sflag:s8] =	dma.local @!p0 [hbm:s6], $0xF7A  }
0x23: {  	s9 =	sor.u32 $0xD0000000, s2;
	s6 =	simm.s32 $0x108;
	_ =	swait.ge @!p0 [sflag:s8], $0x0  }
0x24: {  	s3 =	sadd.s32 $0x88, s3;
	s6 =	simm.s32 @!p1 $0x1082;
	[sflag:s4] =	ssyncset.s32 $0xFFFFF086  }
0x25: {  	[simem:s6], [sflag:s4] =	dma.local [hbm:s3], $0xF7A  }
0x26: {  	[smem:$0x3F93] =	sst s1;
	(tag) =	ssettag s2;
	_ =	strace s9  }
0x27: {  	s1 =	sld [smem:$0x3FA3]  }
0x28: {  	s2 =	sld [smem:$0x3FA4]  }
0x29: {  	s4 =	sld [smem:$0x3FA6]  }
0x2a: {  	p0 =	seq.s32 s5, $0x0;
	s5 =	sld [smem:$0x3FA7]  }
0x2b: {  	s6 =	sld [smem:$0x3FA8]  }
0x2c: {  	s7 =	sld [smem:$0x3FA9]  }
0x2d: {  	s3 =	simm.s32 $0x108;
	s8 =	sld [smem:$0x3FAA]  }
0x2e: {  	s3 =	simm.s32 @!p0 $0x1082;
	s9 =	sld [smem:$0x3FAB]  }
0x2f: {  	lr =	sadd.s32 s0, s3;
	s0 =	sld [smem:$0x3FA2]  }
0x30: {  	s3 =	sld [smem:$0x3FA5]  }
0x31: {  	[smem:$0x3FAE] =	sst s10  }
0x32: {  	s10 =	sld [smem:$0x3FAC];
	_ =	sdelay $0x3  }
0x33: {  	p0 =	seq.s32 s10, $0x1;
	s10 =	sld [smem:$0x3FAE];
	_ =	sdelay $0x3  }
0x34: {  	[smem:$0x3FAE] =	sst s10  }
0x35: {  	s10 =	sld [smem:$0x3FAD];
	_ =	sdelay $0x3  }
0x36: {  	p1 =	seq.s32 s10, $0x1;
	s10 =	sld [smem:$0x3FAE];
	_ =	sdelay $0x3  }
0x37: {  	[smem:$0x3FAE] =	sst s10  }
0x38: {  	s10 =	sld [smem:$0x3FAF]  }
0x39: {  	_ = 	snop;
	(pc) =	sbr.ind lr, $3  }
0x3a: {  	_ = 	snop  }
0x3b: {  	_ = 	snop  }
0x3c: {  	p2 =	seq.s32 s10, $0x1;
	s10 =	sld [smem:$0x3FAE]  }
0x3d: {  	_ =	shalt  }
0x3e: {  	_ =	shalt  }
0x3f: {  	_ =	shalt  }
0x40: {  	_ =	shalt  }
0x41: {  	_ =	shalt  }
0x42: {  	_ =	shalt  }
0x43: {  	_ =	shalt  }
0x44: {  	_ =	shalt  }
0x45: {  	_ =	shalt  }
0x46: {  	_ =	shalt  }
0x47: {  	_ =	shalt  }
0x48: {  	_ =	shalt  }
0x49: {  	_ =	shalt  }
0x4a: {  	_ =	shalt  }
0x4b: {  	_ =	shalt  }
0x4c: {  	_ =	shalt  }
0x4d: {  	_ =	shalt  }
0x4e: {  	_ =	shalt  }
0x4f: {  	_ =	shalt  }
0x50: {  	_ =	shalt  }
0x51: {  	_ =	shalt  }
0x52: {  	_ =	shalt  }
0x53: {  	_ =	shalt  }
0x54: {  	_ =	shalt  }
0x55: {  	_ =	shalt  }
0x56: {  	_ =	shalt  }
0x57: {  	_ =	shalt  }
0x58: {  	_ =	shalt  }
0x59: {  	_ =	shalt  }
0x5a: {  	_ =	shalt  }
0x5b: {  	_ =	shalt  }
0x5c: {  	_ =	shalt  }
0x5d: {  	_ =	shalt  }
0x5e: {  	_ =	shalt  }
0x5f: {  	_ =	shalt  }
0x60: {  	_ =	shalt  }
0x61: {  	_ =	shalt  }
0x62: {  	_ =	shalt  }
0x63: {  	_ =	shalt  }
0x64: {  	_ =	shalt  }
0x65: {  	_ =	shalt  }
0x66: {  	_ =	shalt  }
0x67: {  	_ =	shalt  }
0x68: {  	_ =	shalt  }
0x69: {  	_ =	shalt  }
0x6a: {  	_ =	shalt  }
0x6b: {  	_ =	shalt  }
0x6c: {  	_ =	shalt  }
0x6d: {  	_ =	shalt  }
0x6e: {  	_ =	shalt  }
0x6f: {  	_ =	shalt  }
0x70: {  	_ =	shalt  }
0x71: {  	_ =	shalt  }
0x72: {  	_ =	shalt  }
0x73: {  	_ =	shalt  }
0x74: {  	_ =	shalt  }
0x75: {  	_ =	shalt  }
0x76: {  	_ =	shalt  }
0x77: {  	_ =	shalt  }
0x78: {  	_ =	shalt  }
0x79: {  	_ =	shalt  }
0x7a: {  	_ =	shalt  }
0x7b: {  	_ =	shalt  }
0x7c: {  	_ =	shalt  }
0x7d: {  	_ =	shalt  }
0x7e: {  	_ =	shalt  }
0x7f: {  	_ =	shalt  }
0x80: {  	_ =	shalt  }
0x81: {  	_ =	shalt  }
0x82: {  	_ =	shalt  }
0x83: {  	_ =	shalt  }
0x84: {  	_ =	shalt  }
0x85: {  	_ =	shalt  }
0x86: {  	_ =	shalt  }
0x87: {  	_ =	shalt  }
.Lfunc_end0:
.L_simem_size_0:
called_computation_lowered:
.L_overlay_start_0:
0x88: {  	s2 =	sld [smem:$0x3FD9]  }
0x89: {  	s3 =	sld [smem:$0x3FFE];
	_ =	sdelay $0x1  }
0x8a: {  	s1 =	srdreg.scid  }
0x8b: {  	s0 =	sand.u32 $0x1, s1  }
0x8c: {  	s14 =	sshll.u32 s0, $0xA;
	s2 =	sadd.s32 s3, s2  }
0x8d: {  	s2 =	sadd.s32 s2, s14  }
0x8e: {  	[smem:$0x3FBA] =	sst s2  }
0x8f: {  	_ = 	snop  }
0x90: {  	s2 =	sld [smem:$0x3FD0];
	_ =	sdelay $0x2  }
0x91: {  	s15 =	simm.s32 $0xA;
	s4 =	simm.s32 $0x10  }
0x92: {  	[smem:s4], [sflag:s15] =	dma.local [hbm:s2], $0x1  }
0x93: {  	_ =	swait.eq [sflag:s15], $0x1  }
0x94: {  	[sflag:s15] =	ssyncset.done $0x0  }
0x95: {  	s16 =	sld [smem:$0x10];
	[sflag:s15] =	ssyncadd.s32 $0xFFFFFFFF  }
0x96: {  	s17 =	sld [smem:$0x12];
	(tm) =	ssettm $0x1  }
0x97: {  	s18 =	sld [smem:$0x3FFB];
	_ =	sdelay $0x3  }
0x98: {  	_ =	strace s18  }
0x99: {  	s4 =	sld [smem:$0x3FFC];
	_ =	sdelay $0x3  }
0x9a: {  	_ =	strace s4  }
0x9b: {  	s4 =	sld [smem:$0x3FFD];
	_ =	sdelay $0x3  }
0x9c: {  	_ =	strace s4  }
0x9d: {  	_ =	strace $0x8FFFFFFF  }
0x9e: {  	s19 =	sld [smem:$0x3FDB];
	_ =	sdelay $0x1  }
0x9f: {  	s5 =	simm.s32 $_scs_section_size  }
0xa0: {  	s6 =	simm.s32 $_size__tile_overlayer_lowered;
	s7 =	simm.s32 $_tile_overlayer_lowered  }
0xa1: {  	s22 =	simm.s32 $0x1BFF;
	s21 =	sshll.u32 s7, $0x1;
	s4 =	sadd.s32 s5, s19  }
0xa2: {  	s8 =	simm.s32 $0x0;
	s20 =	sshll.u32 s6, $0x1;
	s6 =	sadd.s32 s21, s4  }
0xa3: {  	[timem:s8], [sflag:s22] =	dma.local [hbm:s6], s20  }
0xa4: {  	_ =	swait.ge [sflag:s22], s20  }
0xa5: {  	s5 =	ssub.s32 $0x0, s20;
	[sflag:s22] =	ssyncset.done $0x0  }
0xa6: {  	[sflag:s22] =	ssyncadd.s32 s5;
	_ =	sdelay $0x1  }
0xa7: {  	s23 =	simm.s32 $0x1B8B  }
0xa8: {  	_ =	swait.ge [sflag:s23], $0x1  }
0xa9: {  	[sflag:s23] =	ssyncset.done $0x0  }
0xaa: {  	s25 =	simm.s32 $0x1B8E;
	s24 =	sld [smem:$0x3FFE];
	[sflag:s23] =	ssyncadd.s32 $0xFFFFFFFF  }
0xab: {  	s26 =	simm.s32 $execute0_lowered;
	[smem:$0x3FD2] =	sst s25  }
0xac: {  	s6 =	sshll.u32 s26, $0x1;
	_ =	strace $0x80000046;
	[dreg:$0x1] =	wrdreg $0xFFFFFFFF  }
0xad: {  	s28 =	simm.s32 $_size_execute0_lowered;
	s4 =	sadd.s32 s4, s6;
	[dreg:$0x0] =	wrdreg $0x0  }
0xae: {  	s6 =	sshll.u32 s28, $0x1;
	[dreg:$0x2] =	wrdreg s4  }
0xaf: {  	[dreg:$0x3] =	wrdreg s6  }
0xb0: {  	[dreg:$0x4] =	wrdreg $0xC0  }
0xb1: {  	_ =	task [dreg:s8], $0x5FFFF  }
0xb2: {  	[dreg:$0x1] =	wrdreg $0xFFFFFFFF  }
0xb3: {  	[dreg:$0x0] =	wrdreg $0x60  }
0xb4: {  	[dreg:$0x2] =	wrdreg s17  }
0xb5: {  	[dreg:$0x3] =	wrdreg s16  }
0xb6: {  	[dreg:$0x4] =	wrdreg s24  }
0xb7: {  	[dreg:$0x5] =	wrdreg $0x9  }
0xb8: {  	_ =	task.clear_ibuf [dreg:s8], $0x6FFFF;
	_ =	strace $0x90000046  }
0xb9: {  	s29 =	simm.s32 $0x9;
	_ =	strace $0x80000048  }
0xba: {  	_ =	swait.ge [sflag:s29], $0x1  }
0xbb: {  	[sflag:s29] =	ssyncadd.s32 $0xFFFFFFFF  }
0xbc: {  	_ =	strace $0x90000048  }
0xbd: {  	_ =	sfence  }
0xbe: {  	s30 =	sld [smem:$0x0];
	_ =	sdelay $0x2  }
0xbf: {  	s31 =	sshll.u32 s1, $0xD;
	s1 =	sshrl.u32 s1, $0x2  }
0xc0: {  	s3 =	sand.u32 $0x4000, s31;
	s1 =	sadd.s32 s1, s30  }
0xc1: {  	s0 =	sor.u32 s3, s0;
	s1 =	sshll.u32 s1, $0x11  }
0xc2: {  	s0 =	sor.u32 s1, s0  }
0xc3: {  	s0 =	sadd.s32 $0x8F2B, s0  }
0xc4: {  	[sflag:s0] =	ssyncadd.remote.s32 $0x1  }
0xc5: {  	_ =	sfence.sel $0xFFFF  }
0xc6: {  	[dreg:$0x0] =	wrdreg $0xFFFFFFFF;
	(pc) =	sbr.abs _section_cstart, $3  }
0xc7: {  	[dreg:$0x1] =	wrdreg $0xFFFFFFFF  }
0xc8: {  	_ =	task.clear_ibuf [dreg:s8], $0x2FFFF;
	_ =	strace $0x9FFFFFFF  }
0xc9: {  	(tm) =	ssettm $0x7FFFFFFF  }
tec
execute0_lowered:
.L_overlay_start_1:
0x0: {  	(tag) =	ssettag $0x1  }
0x1: {  	s1 =	srdreg.scid;
	s2 =	rddreg [dreg:$0x0]  }
0x2: {  	s0 =	stileid.u32;
	s3 =	rddreg [dreg:$0x1]  }
0x3: {  	s4 =	rddreg [dreg:$0x2];
	s6 =	simm.s32 $0x1;
	s1 =	sshll.u32 s1, $0x7  }
0x4: {  	s9 =	simm.s32 $0x1;
	s5 =	sshll.u32 s0, $0x8;
	s1 =	sand.u32 $0x80, s1  }
0x5: {  	s10 =	simm.s32 $0x3;
	s13 =	simm.s32 $0x0;
	s5 =	sor.u32 s5, s1  }
0x6: {  	s12 =	simm.s32 $0x0;
	s1 =	rddreg [dreg:$0x3];
	s8 =	ssub.s32 $0x2000, s5  }
.Ltmp0:
0x7: {  	_ =	strace $0x80000047;
	s7 =	sand.u32 $0xF80, s8;
	(pc) =	sbr.rel .LBB2_1-.Ltmp0, $4  }
0x8: {  	[sflag:s6] =	ssyncpa.u1 $0x0;
	s11 =	smov.u32 s5;
	p0 =	sne.s32 s7, $0x0  }
0x9: {  	s8 =	sshrl.u32 s8, $0xC;
	s7 =	simm.s32 $0x2;
	s9 =	simm.s32 @!p0 $0x0  }
0xa: {  	[sflag:s7] =	ssyncpa.u1 $0x0;
	p0 =	por $0x0, $0x0;
	s8 =	sadd.s32 s9, s8  }
0xb: {  	vm0 =	vmmov $0xffff;
	[sflag:s10] =	ssyncpa.u1 $0x0;
	s10 =	simm.s32 $0x0;
	s9 =	sadd.s32 $0x1, s8  }
.LBB2_4:
0xc: {  	vm1 =	veq.s32 v0, $0x80000000;
	v63 =	vand.u32 $0xF, v0;
	v2 =	vand.u32 $0x1FF, v2  }
0xd: {  	v0 =	vsel vm1, $0xFFFFFFFF, v63;
	v2 =	vsel vm1, $0xFFFFFFFF, v2  }
0xe: {  	v3 =	vshll.u32 v0, $0x9;
	v4 =	vshll.u32 v2, $0x3  }
0xf: {  	v0 =	vshll.u32 v0, $0x7;
	v3 =	vand.u32 $0xFFFFF000, v3;
	v4 =	vand.u32 $0xFFFFFC00, v4  }
0x10: {  	v0 =	vand.u32 $0x380, v0;
	v3 =	vadd.s32 v3, v4  }
0x11: {  	v2 =	vand.u32 $0x7F, v2;
	v0 =	vor.u32 v0, v3  }
0x12: {  	v0 =	vor.u32 v2, v0;
	_ =	sdelay $0x1  }
0x13: {  	(ifvalue) =	ssetifvalue $0x7FFFFFFF;
	s14 =	sadd.s32 $0x10, s14  }
0x14: {  	[tilespmem:s14], [sflag:$0x1] =	stream.indirect_vreg.gather [hbm4b:s2+s10], $0x1, v1, vm0, $0x4038;
	[tilespmem:$0x200] =	vst v63  }
0x15: {  	(ifvalue) =	ssetifvalue $0x7FFFFFFF;
	s14 =	sadd.s32 $0x10, s14  }
0x16: {  	[tilespmem:s14], [sflag:$0x1] =	stream.indirect_vreg.gather [hbm4b:s2+s10], $0x1, v0, vm0, $0x4038;
	[tilespmem:$0x200] =	vst v63  }
0x17: {  	_ =	swait.ge [sflag:s6], $0x80  }
0x18: {  	s30 =	sshrl.u32 s13, $0x3;
	[sflag:s6] =	ssyncset.done $0x0  }
0x19: {  	s31 =	sand.u32 $0x7, s13;
	s14 =	sadd.s32 s4, s30;
	[sflag:s6] =	ssyncadd.s32 $0xFFFFFF80  }
0x1a: {  	[hbm4b:s14+s31] =	stream.linear.scatter [tilespmem:s15], [sflag:$0x3], $0x80, $0x38;
	[tilespmem:$0x200] =	vst v63  }
.LBB2_5:
0x1b: {  	s15 =	sadd.s32 $0x1000, s11  }
0x1c: {  	p2 =	sgt.s32 s15, $0x1FFF  }
0x1d: {  	s15 =	smov.u32 @p2 s5;
	p2 =	sne.s32 s12, s9  }
.Ltmp1:
0x1e: {  	p1 =	slt.u32 s12, $0x2;
	(pc) =	sbr.rel @!p2 .LBB2_6-.Ltmp1, $4  }
0x1f: {  	s14 =	simm.s32 @!p1 $0x3  }
0x20: {  	s16 =	sadd.s32 $0x1, s12;
	_ =	swait.ge @!p1 [sflag:s14], $0x80  }
0x21: {  	s13 =	smov.u32 s11;
	p0 =	por !p0, !p0;
	[sflag:s14] =	ssyncset.done @!p1 $0x0  }
0x22: {  	s12 =	smov.u32 s16;
	s11 =	smov.u32 s15;
	[sflag:s14] =	ssyncadd.s32 @!p1 $0xFFFFFF80  }
.LBB2_1:
0x23: {  	p1 =	sge.u32 s12, s8  }
0x24: {  	s14 =	sxor.u32 @!p1 $0xFFFFFFFF, s12  }
0x25: {  	s31 =	sadd.s32 $0xFFFFFFFF, s12;
	s15 =	sshrl.u32 @!p1 s11, $0x3;
	s14 =	sshll.u32 @!p1 s14, $0x7  }
0x26: {  	s16 =	sand.u32 @!p1 $0x7, s11;
	s15 =	sadd.s32 @!p1 s3, s15;
	s14 =	sand.u32 @!p1 $0x80, s14  }
0x27: {  	[tilespmem:s14], [sflag:$0x2] =	stream.linear.gather @!p1 [hbm4b:s15+s16], $0x80, $0x38;
	[tilespmem:$0x200] =	vst v63  }
0x28: {  	p1 =	sge.u32 s31, s8  }
.Ltmp2:
0x29: {  	_ = 	snop;
	(pc) =	sbr.rel @p1 .LBB2_5-.Ltmp2, $1  }
0x2a: {  	_ =	sdelay $0x3  }
0x2b: {  	s14 =	simm.s32 $0x1  }
0x2c: {  	_ =	swait.ge [sflag:s7], $0x80;
	s14 =	simm.s32 @!p0 $0x0  }
0x2d: {  	[sflag:s7] =	ssyncset.done $0x0;
	s14 =	sshll.u32 s14, $0x7  }
0x2e: {  	[sflag:s7] =	ssyncadd.s32 $0xFFFFFF80;
	(ifvalue) =	ssetifvalue $0x7FFFFFFF;
	v0 =	vld.msk [tilespmem:s14+$0x0 ss:$0x1], $0xffff;
	_ =	sdelay $0x3  }
0x2f: {  	s15 =	sadd.s32 $0x10, s14  }
0x30: {  	v2 =	vld.msk [tilespmem:s15+$0x0 ss:$0x1], $0xffff;
	v1 =	vshrl.u32 v0, $0x4  }
0x31: {  	vm1 =	veq.s32 v0, $0x80000000;
	v0 =	vand.u32 $0xF, v0;
	v1 =	vand.u32 $0x1FF, v1  }
0x32: {  	v0 =	vsel vm1, $0xFFFFFFFF, v0;
	v1 =	vsel vm1, $0xFFFFFFFF, v1  }
0x33: {  	v3 =	vshll.u32 v0, $0x9;
	v4 =	vshll.u32 v1, $0x3  }
0x34: {  	v0 =	vshll.u32 v0, $0x7;
	v3 =	vand.u32 $0xFFFFF000, v3;
	v4 =	vand.u32 $0xFFFFFC00, v4  }
0x35: {  	vm1 =	veq.s32 v2, $0x80000000;
	v0 =	vand.u32 $0x380, v0;
	v3 =	vadd.s32 v3, v4  }
0x36: {  	v1 =	vand.u32 $0x7F, v1;
	v0 =	vor.u32 v0, v3;
	v3 =	vshrl.u32 v2, $0x4  }
0x37: {  	s17 =	sadd.s32 $0x10, s15;
	v2 =	vand.u32 $0xF, v2;
	v1 =	vor.u32 v1, v0;
	v3 =	vand.u32 $0x1FF, v3  }
0x38: {  	v0 =	vld.msk [tilespmem:s17+$0x0 ss:$0x1], $0xffff;
	v2 =	vsel vm1, $0xFFFFFFFF, v2;
	v3 =	vsel vm1, $0xFFFFFFFF, v3  }
0x39: {  	v63 =	vshll.u32 v2, $0x9;
	v5 =	vshll.u32 v3, $0x3  }
0x3a: {  	s31 =	sshll.u32 s12, $0x7;
	v2 =	vshll.u32 v2, $0x7;
	v4 =	vand.u32 $0xFFFFF000, v63;
	v5 =	vand.u32 $0xFFFFFC00, v5  }
0x3b: {  	s14 =	sor.u32 $0x100, s14;
	s15 =	sand.u32 $0x80, s31;
	(ifvalue) =	ssetifvalue $0x7FFFFFFF;
	v2 =	vand.u32 $0x380, v2;
	v4 =	vadd.s32 v4, v5  }
0x3c: {  	[tilespmem:s14], [sflag:$0x1] =	stream.indirect_vreg.gather [hbm4b:s2+s10], $0x1, v1, vm0, $0x4038;
	v1 =	vand.u32 $0x7F, v3;
	v3 =	vor.u32 v2, v4;
	[tilespmem:$0x200] =	vst v63  }
0x3d: {  	s16 =	simm.s32 $0x20;
	s15 =	sor.u32 $0x100, s15;
	s17 =	sadd.s32 $0x10, s17;
	v2 =	vshrl.u32 v0, $0x4;
	v1 =	vor.u32 v1, v3  }
.LBB2_3:
0x3e: {  	s16 =	sadd.s32 $0x10, s16;
	vm1 =	veq.s32 v0, $0x80000000;
	v3 =	vand.u32 $0xF, v0;
	v0 =	vld.msk [tilespmem:s17+$0x0 ss:$0x1], $0xffff;
	v2 =	vand.u32 $0x1FF, v2  }
0x3f: {  	p1 =	slt.u32 s16, $0x70;
	v3 =	vsel vm1, $0xFFFFFFFF, v3;
	v2 =	vsel vm1, $0xFFFFFFFF, v2  }
.Ltmp3:
0x40: {  	v4 =	vshll.u32 v3, $0x9;
	v5 =	vshll.u32 v2, $0x3;
	(pc) =	sbr.rel @p1 .LBB2_3-.Ltmp3, $4  }
0x41: {  	s14 =	sadd.s32 $0x10, s14;
	v3 =	vshll.u32 v3, $0x7;
	v4 =	vand.u32 $0xFFFFF000, v4;
	v5 =	vand.u32 $0xFFFFFC00, v5;
	(ifvalue) =	ssetifvalue $0x7FFFFFFF  }
0x42: {  	v3 =	vand.u32 $0x380, v3;
	v4 =	vadd.s32 v4, v5;
	[tilespmem:s14], [sflag:$0x1] =	stream.indirect_vreg.gather [hbm4b:s2+s10], $0x1, v1, vm0, $0x4038;
	[tilespmem:$0x200] =	vst v63  }
0x43: {  	v1 =	vand.u32 $0x7F, v2;
	v3 =	vor.u32 v3, v4  }
0x44: {  	s17 =	sadd.s32 $0x10, s17;
	v2 =	vshrl.u32 v0, $0x4;
	v1 =	vor.u32 v1, v3  }
.Ltmp4:
0x45: {  	_ = 	snop;
	(pc) =	sbr.rel .LBB2_4-.Ltmp4, $1  }
0x46: {  	_ =	sdelay $0x3  }
.LBB2_6:
0x47: {  	_ =	sfence.sel $0x180000  }
0x48: {  	s2 =	simm.s32 $0x2;
	[bflag:$0x0] =	sbarrier.arrive $0xFFFF  }
0x49: {  	s30 =	simm.s32 $0x3;
	[sflag:s2] =	ssyncpa.u1 $0x1  }
0x4a: {  	s31 =	simm.s32 $0x1;
	[sflag:s30] =	ssyncpa.u1 $0x1  }
0x4b: {  	[sflag:s31] =	ssyncpa.u1 $0x1  }
0x4c: {  	p0 =	sne.s32 s0, $0x0;
	_ =	strace $0x90000047  }
0x4d: {  	s0 =	sadd.s32 @!p0 $0x100000, s1;
	[bflag:$0x2] =	sbarrier.arrive $0xFFFF  }
0x4e: {  	[sflag:s0] =	ssyncadd.tile.s32 @!p0 $0x1;
	_ =	shalt  }
.Lfunc_end2:
_tile_overlayer_lowered:
.L_overlay_start_2:
0x4f: {  	(tag) =	ssettag $0x2  }
0x50: {  	s0 =	rddreg [dreg:$0x0];
	s2 =	stileid.u32  }
0x51: {  	s1 =	rddreg [dreg:$0x1];
	p0 =	sne.s32 s2, $0x0  }
0x52: {  	s3 =	rddreg [dreg:$0x2];
	[bflag:$0x3] =	sbarrier.arrive $0xFFFF;
	s2 =	simm.s32 @!p0 $0x1C01  }
0x53: {  	[timem:s3], [sflag:s2] =	dma.local @!p0 [hbm:s0], s1  }
0x54: {  	s0 =	simm.s32 @!p0 $0x1  }
0x55: {  	_ =	swait.ge @!p0 [sflag:s0], s1  }
0x56: {  	s1 =	ssub.s32 @!p0 $0x0, s1;
	[sflag:s0] =	ssyncset.done @!p0 $0x0  }
0x57: {  	[sflag:s0] =	ssyncadd.s32 @!p0 s1  }
0x58: {  	[bflag:$0x3] =	sbarrier.arrive $0xFFFF  }
0x59: {  	_ =	shalt  }

</sc_bundles>
